<compile_context>
chip_gen: v7x
topology: tpu7x:2x2x1
jax: 0.10.2.dev20260603
libtpu: 0.0.44.dev20260713+nightly
codegen_flags: <defaults>
</compile_context>

<pallas_src>
import functools

import jax
import jax.numpy as jnp
from jax import lax
from jax.experimental import pallas as pl
from jax.experimental.pallas import tpu as pltpu
from jax.experimental.pallas import tpu_sc as plsc

F = 26
V = 100000
D = 32
B = 16384
R = F * D

NC = 2
NS = 16
L = 16
NW = NC * NS
IPW = R // NW
CHUNK = 2048
NCHUNK = B // CHUNK
UNROLL = 16

_mesh = plsc.VectorSubcoreMesh(core_axis_name="c", subcore_axis_name="s")


@functools.partial(
    pl.kernel,
    out_type=jax.ShapeDtypeStruct((R, B), jnp.float32),
    mesh=_mesh,
    scratch_types=[
        pltpu.VMEM((V,), jnp.float32),
        pltpu.VMEM((B,), jnp.int32),
        pltpu.VMEM((CHUNK,), jnp.float32),
        pltpu.VMEM((CHUNK,), jnp.float32),
        pltpu.SemaphoreType.DMA,
        pltpu.SemaphoreType.DMA,
        pltpu.SemaphoreType.DMA,
    ],
    compiler_params=pltpu.CompilerParams(
        use_tc_tiling_on_sc=True, needs_layout_passes=False
    ),
)
def _gather_kernel(tt, xt, out, row_v, idx_v, val0_v, val1_v, sem0, sem1, rsem):
    wid = lax.axis_index("s") * NC + lax.axis_index("c")
    vals = (val0_v, val1_v)
    sems = (sem0, sem1)

    def item_body(k, prev_f):
        t = wid * IPW + k
        f = t // D
        j = t % D

        h0 = pltpu.async_copy(tt.at[f, j, :], row_v, rsem)

        @pl.when(f != prev_f)
        def _():
            pltpu.sync_copy(xt.at[f, :], idx_v)

        h0.wait()

        handles = []
        for c in range(NCHUNK):
            val_v = vals[c % 2]
            if c >= 2:
                handles[c - 2].wait()

            def _gbody(i, _c=c, _val=val_v):
                _val[pl.ds(i, L)] = plsc.load_gather(
                    row_v, [idx_v[pl.ds(_c * CHUNK + i, L)]]
                )

            plsc.parallel_loop(0, CHUNK, step=L, unroll=UNROLL)(_gbody)
            handles.append(
                pltpu.async_copy(val_v, out.at[t, pl.ds(c * CHUNK, CHUNK)],
                                 sems[c % 2])
            )
        handles[NCHUNK - 2].wait()
        handles[NCHUNK - 1].wait()
        return f

    lax.fori_loop(0, IPW, item_body, -1)


def kernel(x, tables):
    if x.ndim <= 1:
        x = x[None, :]
    xt = x.T
    tt = jnp.transpose(tables, (0, 2, 1))
    out_t = _gather_kernel(tt, xt)
    return out_t.T

# --- scband reference (transcript-rebuilt; emitter-appended) ---
"""Pipeline reference for scband-concatenated-embeddings-32014686224845 (READ-ONLY COPY).

The authoritative reference and input builder live on the scoring server;
editing this copy changes nothing except your own understanding.
"""

import jax, jax.numpy as jnp
import numpy as np

NUM_FIELDS = 26
VOCAB = 100000
EMB = 32
BATCH = 16384

def setup_inputs(seed: int = 0) -> dict:
    key = jax.random.key(seed)
    k1, k2 = jax.random.split(key)
    x = jax.random.randint(k1, (BATCH, NUM_FIELDS), 0, VOCAB, dtype=jnp.int32)
    # All 26 tables have identical (cardinality, emb) shapes, so stack them.
    tables = jax.random.normal(k2, (NUM_FIELDS, VOCAB, EMB), dtype=jnp.float32) * 0.01
    return {"x": x, "tables": tables}

def reference(x, tables):
    if x.ndim <= 1:
        x = x[None, :]
    # One embedding lookup per categorical column, then concat (dropout p=0.0 is identity).
    embs = [jnp.take(tables[i], x[:, i], axis=0) for i in range(tables.shape[0])]
    out = jnp.concatenate(embs, axis=1)
    return out

if __name__ == "__main__":
    import jax
    _d = setup_inputs()
    print(jax.jit(kernel)(*tuple(_d.values())))

</pallas_src>

<mosaic_0001>
#map = affine_map<(d0, d1) -> (0, 0, 0)>
#map1 = affine_map<(d0, d1) -> (0, 0)>
module attributes {stable_mosaic.version = 14 : i64} {
  func.func @_gather_kernel(%arg0: i32, %arg1: i32, %arg2: memref<26x32x100000xf32, #tpu.memory_space<hbm>>, %arg3: memref<26x16384xi32, #tpu.memory_space<hbm>>, %arg4: memref<832x16384xf32, #tpu.memory_space<hbm>>, %arg5: memref<100000xf32, #tpu.memory_space<vmem>>, %arg6: memref<16384xi32, #tpu.memory_space<vmem>>, %arg7: memref<2048xf32, #tpu.memory_space<vmem>>, %arg8: memref<2048xf32, #tpu.memory_space<vmem>>, %arg9: memref<!tpu.dma_semaphore, #tpu.memory_space<semaphore_mem>>, %arg10: memref<!tpu.dma_semaphore, #tpu.memory_space<semaphore_mem>>, %arg11: memref<!tpu.dma_semaphore, #tpu.memory_space<semaphore_mem>>) attributes {dimension_semantics = [#tpu.dimension_semantics<core_parallel>, #tpu.dimension_semantics<subcore_parallel>], iteration_bounds = array<i64: 2, 16>, scalar_prefetch = 0 : i64, scratch_operands = 7 : i64, tpu.core_type = #tpu.core_type<sc_vector_subcore>, window_params = [{transform_indices = #map}, {transform_indices = #map1}, {transform_indices = #map1}]} {
    %mul3A = arith.constant 2 : i32
    %mul3A_0 = arith.muli %arg1, %mul3A : i32
    %add3A = arith.addi %mul3A_0, %arg0 : i32
    %scan3A = arith.constant -1 : i32
    %scan3A_1 = arith.constant 0 : i32
    %scan3A_2 = arith.constant 26 : i32
    %scan3A_3 = arith.addi %scan3A_1, %scan3A_2 : i32
    %scan3A_4 = arith.constant 1 : i32
    %scan3A_5 = scf.for %scan3A_7 = %scan3A_1 to %scan3A_3 step %scan3A_4 iter_args(%scan3A_8 = %scan3A) -> (i32)  : i32 {
      %mul3A_9 = arith.constant 26 : i32
      %mul3A_10 = arith.muli %add3A, %mul3A_9 : i32
      %add3A_11 = arith.addi %mul3A_10, %scan3A_7 : i32
      %jit3A = arith.constant 32 : i32
      %div3A = arith.divsi %add3A_11, %jit3A : i32
      %sign3A = arith.constant 0 : i32
      %sign3A_12 = arith.cmpi sgt, %add3A_11, %sign3A : i32
      %sign3A_13 = arith.extui %sign3A_12 : i1 to i32
      %sign3A_14 = arith.constant 0 : i32
      %sign3A_15 = arith.cmpi slt, %add3A_11, %sign3A_14 : i32
      %sign3A_16 = arith.extui %sign3A_15 : i1 to i32
      %sign3A_17 = arith.subi %sign3A_13, %sign3A_16 : i32
      %sign3A_18 = arith.constant 0 : i32
      %sign3A_19 = arith.cmpi sgt, %jit3A, %sign3A_18 : i32
      %sign3A_20 = arith.extui %sign3A_19 : i1 to i32
      %sign3A_21 = arith.constant 0 : i32
      %sign3A_22 = arith.cmpi slt, %jit3A, %sign3A_21 : i32
      %sign3A_23 = arith.extui %sign3A_22 : i1 to i32
      %sign3A_24 = arith.subi %sign3A_20, %sign3A_23 : i32
      %ne3A = arith.cmpi ne, %sign3A_17, %sign3A_24 : i32
      %rem3A = arith.remsi %add3A_11, %jit3A : i32
      %ne3A_25 = arith.constant 0 : i32
      %ne3A_26 = arith.cmpi ne, %rem3A, %ne3A_25 : i32
      %and3A = arith.andi %ne3A, %ne3A_26 : i1
      %sub3A = arith.constant 1 : i32
      %sub3A_27 = arith.subi %div3A, %sub3A : i32
      %select_n3A = arith.select %and3A, %sub3A_27, %div3A : i32
      %jit3A_28 = arith.constant 32 : i32
      %eq3A = arith.constant 0 : i32
      %eq3A_29 = arith.cmpi eq, %jit3A_28, %eq3A : i32
      %jit3A_30 = arith.constant 1 : i32
      %select_n3A_31 = arith.select %eq3A_29, %jit3A_30, %jit3A_28 : i32
      %rem3A_32 = arith.remsi %add3A_11, %select_n3A_31 : i32
      %ne3A_33 = arith.constant 0 : i32
      %ne3A_34 = arith.cmpi ne, %rem3A_32, %ne3A_33 : i32
      %lt3A = arith.constant 0 : i32
      %lt3A_35 = arith.cmpi slt, %rem3A_32, %lt3A : i32
      %lt3A_36 = arith.constant 0 : i32
      %lt3A_37 = arith.cmpi slt, %select_n3A_31, %lt3A_36 : i32
      %ne3A_38 = arith.xori %lt3A_35, %lt3A_37 : i1
      %and3A_39 = arith.andi %ne3A_38, %ne3A_34 : i1
      %add3A_40 = arith.addi %rem3A_32, %select_n3A_31 : i32
      %select_n3A_41 = arith.select %and3A_39, %add3A_40, %rem3A_32 : i32
      %dma_start3A = arith.constant 0 : i32
      %dma_start3A_42 = tpu.memref_slice %arg2[%select_n3A, %select_n3A_41, %dma_start3A] : memref<26x32x100000xf32, #tpu.memory_space<hbm>> -> memref<1x1x100000xf32, #tpu.memory_space<hbm>>
      %dma_start3A_43 = tpu.memref_squeeze %dma_start3A_42 : memref<1x1x100000xf32, #tpu.memory_space<hbm>> -> memref<100000xf32, #tpu.memory_space<hbm>>
      %dma_start3A_44 = arith.constant 0 : i32
      %dma_start3A_45 = tpu.memref_slice %arg2[%select_n3A, %select_n3A_41, %dma_start3A_44] : memref<26x32x100000xf32, #tpu.memory_space<hbm>> -> memref<1x1x100000xf32, #tpu.memory_space<hbm>>
      %dma_start3A_46 = tpu.memref_squeeze %dma_start3A_45 : memref<1x1x100000xf32, #tpu.memory_space<hbm>> -> memref<100000xf32, #tpu.memory_space<hbm>>
      tpu.enqueue_dma source(%dma_start3A_46 : memref<100000xf32, #tpu.memory_space<hbm>>) target(%arg5 : memref<100000xf32, #tpu.memory_space<vmem>>) target_semaphore(%arg11 : memref<!tpu.dma_semaphore, #tpu.memory_space<semaphore_mem>>)
      %ne3A_47 = arith.cmpi ne, %select_n3A, %scan3A_8 : i32
      %convert_element_type3A = arith.extui %ne3A_47 : i1 to i32
      %cond3A = arith.constant 0 : i32
      %cond3A_48 = arith.cmpi ne, %convert_element_type3A, %cond3A : i32
      scf.if %cond3A_48 {
        "tpu.region"() ({
          %run_scoped3A = tpu.sem_alloc : memref<!tpu.dma_semaphore, #tpu.memory_space<semaphore_mem>>
          %dma_start3A_173 = arith.constant 0 : i32
          %dma_start3A_174 = tpu.memref_slice %arg3[%select_n3A, %dma_start3A_173] : memref<26x16384xi32, #tpu.memory_space<hbm>> -> memref<1x16384xi32, #tpu.memory_space<hbm>>
          %dma_start3A_175 = tpu.memref_squeeze %dma_start3A_174 : memref<1x16384xi32, #tpu.memory_space<hbm>> -> memref<16384xi32, #tpu.memory_space<hbm>>
          %dma_start3A_176 = arith.constant 0 : i32
          %dma_start3A_177 = tpu.memref_slice %arg3[%select_n3A, %dma_start3A_176] : memref<26x16384xi32, #tpu.memory_space<hbm>> -> memref<1x16384xi32, #tpu.memory_space<hbm>>
          %dma_start3A_178 = tpu.memref_squeeze %dma_start3A_177 : memref<1x16384xi32, #tpu.memory_space<hbm>> -> memref<16384xi32, #tpu.memory_space<hbm>>
          tpu.enqueue_dma source(%dma_start3A_178 : memref<16384xi32, #tpu.memory_space<hbm>>) target(%arg6 : memref<16384xi32, #tpu.memory_space<vmem>>) target_semaphore(%run_scoped3A : memref<!tpu.dma_semaphore, #tpu.memory_space<semaphore_mem>>)
          %dma_wait3A_179 = arith.constant 0 : i32
          %dma_wait3A_180 = tpu.memref_slice %arg3[%select_n3A, %dma_wait3A_179] : memref<26x16384xi32, #tpu.memory_space<hbm>> -> memref<1x16384xi32, #tpu.memory_space<hbm>>
          %dma_wait3A_181 = tpu.memref_squeeze %dma_wait3A_180 : memref<1x16384xi32, #tpu.memory_space<hbm>> -> memref<16384xi32, #tpu.memory_space<hbm>>
          %dma_wait3A_182 = arith.constant 0 : i32
          %dma_wait3A_183 = tpu.memref_slice %arg3[%select_n3A, %dma_wait3A_182] : memref<26x16384xi32, #tpu.memory_space<hbm>> -> memref<1x16384xi32, #tpu.memory_space<hbm>>
          %dma_wait3A_184 = tpu.memref_squeeze %dma_wait3A_183 : memref<1x16384xi32, #tpu.memory_space<hbm>> -> memref<16384xi32, #tpu.memory_space<hbm>>
          tpu.wait_dma2 semaphore(%run_scoped3A : memref<!tpu.dma_semaphore, #tpu.memory_space<semaphore_mem>>) src(%dma_wait3A_184 : memref<16384xi32, #tpu.memory_space<hbm>>) dst(%arg6 : memref<16384xi32, #tpu.memory_space<vmem>>)
          tpu.yield
        }) : () -> ()
      } else {
      }
      %dma_wait3A = arith.constant 0 : i32
      %dma_wait3A_49 = tpu.memref_slice %arg2[%select_n3A, %select_n3A_41, %dma_wait3A] : memref<26x32x100000xf32, #tpu.memory_space<hbm>> -> memref<1x1x100000xf32, #tpu.memory_space<hbm>>
      %dma_wait3A_50 = tpu.memref_squeeze %dma_wait3A_49 : memref<1x1x100000xf32, #tpu.memory_space<hbm>> -> memref<100000xf32, #tpu.memory_space<hbm>>
      %dma_wait3A_51 = arith.constant 0 : i32
      %dma_wait3A_52 = tpu.memref_slice %arg2[%select_n3A, %select_n3A_41, %dma_wait3A_51] : memref<26x32x100000xf32, #tpu.memory_space<hbm>> -> memref<1x1x100000xf32, #tpu.memory_space<hbm>>
      %dma_wait3A_53 = tpu.memref_squeeze %dma_wait3A_52 : memref<1x1x100000xf32, #tpu.memory_space<hbm>> -> memref<100000xf32, #tpu.memory_space<hbm>>
      tpu.wait_dma2 semaphore(%arg11 : memref<!tpu.dma_semaphore, #tpu.memory_space<semaphore_mem>>) src(%dma_wait3A_53 : memref<100000xf32, #tpu.memory_space<hbm>>) dst(%arg5 : memref<100000xf32, #tpu.memory_space<vmem>>)
      %parallel_loop3A = arith.constant 0 : i32
      %parallel_loop3A_54 = arith.constant 2048 : i32
      %parallel_loop3A_55 = arith.constant 16 : i32
      scf.for %parallel_loop3A_173 = %parallel_loop3A to %parallel_loop3A_54 step %parallel_loop3A_55  : i32 {
        %parallel_loop3A_174 = arith.constant 0 : i32
        %parallel_loop3A_175 = arith.addi %parallel_loop3A_174, %parallel_loop3A_173 : i32
        %parallel_loop3A_176 = arith.index_cast %parallel_loop3A_175 : i32 to index
        %parallel_loop3A_177 = tpu.vector_load %arg6[%parallel_loop3A_176] {strides = array<i32>} : memref<16384xi32, #tpu.memory_space<vmem>>, vector<16xi32>,
        %parallel_loop3A_178 = tpu.vector_load_idx %arg5[%parallel_loop3A_177] : memref<100000xf32, #tpu.memory_space<vmem>>[vector<16xi32>], vector<16xf32>,
        %parallel_loop3A_179 = arith.index_cast %parallel_loop3A_173 : i32 to index
        %parallel_loop3A_180 = tpu.vector_load %arg7[%parallel_loop3A_179] {strides = array<i32>} : memref<2048xf32, #tpu.memory_space<vmem>>, vector<16xf32>,
        tpu.vector_store %arg7[%parallel_loop3A_179], %parallel_loop3A_178 {strides = array<i32>} : memref<2048xf32, #tpu.memory_space<vmem>>, vector<16xf32>,
      } {sc.loop_unroll_factor = 16 : i64, sc.parallel_access}
      %dma_start3A_56 = arith.constant 0 : i32
      %dma_start3A_57 = tpu.memref_slice %arg4[%add3A_11, %dma_start3A_56] : memref<832x16384xf32, #tpu.memory_space<hbm>> -> memref<1x2048xf32, #tpu.memory_space<hbm>>
      %dma_start3A_58 = tpu.memref_squeeze %dma_start3A_57 : memref<1x2048xf32, #tpu.memory_space<hbm>> -> memref<2048xf32, #tpu.memory_space<hbm>>
      %dma_start3A_59 = arith.constant 0 : i32
      %dma_start3A_60 = tpu.memref_slice %arg4[%add3A_11, %dma_start3A_59] : memref<832x16384xf32, #tpu.memory_space<hbm>> -> memref<1x2048xf32, #tpu.memory_space<hbm>>
      %dma_start3A_61 = tpu.memref_squeeze %dma_start3A_60 : memref<1x2048xf32, #tpu.memory_space<hbm>> -> memref<2048xf32, #tpu.memory_space<hbm>>
      tpu.enqueue_dma source(%arg7 : memref<2048xf32, #tpu.memory_space<vmem>>) target(%dma_start3A_61 : memref<2048xf32, #tpu.memory_space<hbm>>) target_semaphore(%arg9 : memref<!tpu.dma_semaphore, #tpu.memory_space<semaphore_mem>>)
      %parallel_loop3A_62 = arith.constant 0 : i32
      %parallel_loop3A_63 = arith.constant 2048 : i32
      %parallel_loop3A_64 = arith.constant 16 : i32
      scf.for %parallel_loop3A_173 = %parallel_loop3A_62 to %parallel_loop3A_63 step %parallel_loop3A_64  : i32 {
        %parallel_loop3A_174 = arith.constant 2048 : i32
        %parallel_loop3A_175 = arith.addi %parallel_loop3A_174, %parallel_loop3A_173 : i32
        %parallel_loop3A_176 = arith.index_cast %parallel_loop3A_175 : i32 to index
        %parallel_loop3A_177 = tpu.vector_load %arg6[%parallel_loop3A_176] {strides = array<i32>} : memref<16384xi32, #tpu.memory_space<vmem>>, vector<16xi32>,
        %parallel_loop3A_178 = tpu.vector_load_idx %arg5[%parallel_loop3A_177] : memref<100000xf32, #tpu.memory_space<vmem>>[vector<16xi32>], vector<16xf32>,
        %parallel_loop3A_179 = arith.index_cast %parallel_loop3A_173 : i32 to index
        %parallel_loop3A_180 = tpu.vector_load %arg8[%parallel_loop3A_179] {strides = array<i32>} : memref<2048xf32, #tpu.memory_space<vmem>>, vector<16xf32>,
        tpu.vector_store %arg8[%parallel_loop3A_179], %parallel_loop3A_178 {strides = array<i32>} : memref<2048xf32, #tpu.memory_space<vmem>>, vector<16xf32>,
      } {sc.loop_unroll_factor = 16 : i64, sc.parallel_access}
      %dma_start3A_65 = arith.constant 2048 : i32
      %dma_start3A_66 = tpu.memref_slice %arg4[%add3A_11, %dma_start3A_65] : memref<832x16384xf32, #tpu.memory_space<hbm>> -> memref<1x2048xf32, #tpu.memory_space<hbm>>
      %dma_start3A_67 = tpu.memref_squeeze %dma_start3A_66 : memref<1x2048xf32, #tpu.memory_space<hbm>> -> memref<2048xf32, #tpu.memory_space<hbm>>
      %dma_start3A_68 = arith.constant 2048 : i32
      %dma_start3A_69 = tpu.memref_slice %arg4[%add3A_11, %dma_start3A_68] : memref<832x16384xf32, #tpu.memory_space<hbm>> -> memref<1x2048xf32, #tpu.memory_space<hbm>>
      %dma_start3A_70 = tpu.memref_squeeze %dma_start3A_69 : memref<1x2048xf32, #tpu.memory_space<hbm>> -> memref<2048xf32, #tpu.memory_space<hbm>>
      tpu.enqueue_dma source(%arg8 : memref<2048xf32, #tpu.memory_space<vmem>>) target(%dma_start3A_70 : memref<2048xf32, #tpu.memory_space<hbm>>) target_semaphore(%arg10 : memref<!tpu.dma_semaphore, #tpu.memory_space<semaphore_mem>>)
      %dma_wait3A_71 = arith.constant 0 : i32
      %dma_wait3A_72 = tpu.memref_slice %arg4[%add3A_11, %dma_wait3A_71] : memref<832x16384xf32, #tpu.memory_space<hbm>> -> memref<1x2048xf32, #tpu.memory_space<hbm>>
      %dma_wait3A_73 = tpu.memref_squeeze %dma_wait3A_72 : memref<1x2048xf32, #tpu.memory_space<hbm>> -> memref<2048xf32, #tpu.memory_space<hbm>>
      %dma_wait3A_74 = arith.constant 0 : i32
      %dma_wait3A_75 = tpu.memref_slice %arg4[%add3A_11, %dma_wait3A_74] : memref<832x16384xf32, #tpu.memory_space<hbm>> -> memref<1x2048xf32, #tpu.memory_space<hbm>>
      %dma_wait3A_76 = tpu.memref_squeeze %dma_wait3A_75 : memref<1x2048xf32, #tpu.memory_space<hbm>> -> memref<2048xf32, #tpu.memory_space<hbm>>
      tpu.wait_dma2 semaphore(%arg9 : memref<!tpu.dma_semaphore, #tpu.memory_space<semaphore_mem>>) src(%arg7 : memref<2048xf32, #tpu.memory_space<vmem>>) dst(%dma_wait3A_76 : memref<2048xf32, #tpu.memory_space<hbm>>)
      %parallel_loop3A_77 = arith.constant 0 : i32
      %parallel_loop3A_78 = arith.constant 2048 : i32
      %parallel_loop3A_79 = arith.constant 16 : i32
      scf.for %parallel_loop3A_173 = %parallel_loop3A_77 to %parallel_loop3A_78 step %parallel_loop3A_79  : i32 {
        %parallel_loop3A_174 = arith.constant 4096 : i32
        %parallel_loop3A_175 = arith.addi %parallel_loop3A_174, %parallel_loop3A_173 : i32
        %parallel_loop3A_176 = arith.index_cast %parallel_loop3A_175 : i32 to index
        %parallel_loop3A_177 = tpu.vector_load %arg6[%parallel_loop3A_176] {strides = array<i32>} : memref<16384xi32, #tpu.memory_space<vmem>>, vector<16xi32>,
        %parallel_loop3A_178 = tpu.vector_load_idx %arg5[%parallel_loop3A_177] : memref<100000xf32, #tpu.memory_space<vmem>>[vector<16xi32>], vector<16xf32>,
        %parallel_loop3A_179 = arith.index_cast %parallel_loop3A_173 : i32 to index
        %parallel_loop3A_180 = tpu.vector_load %arg7[%parallel_loop3A_179] {strides = array<i32>} : memref<2048xf32, #tpu.memory_space<vmem>>, vector<16xf32>,
        tpu.vector_store %arg7[%parallel_loop3A_179], %parallel_loop3A_178 {strides = array<i32>} : memref<2048xf32, #tpu.memory_space<vmem>>, vector<16xf32>,
      } {sc.loop_unroll_factor = 16 : i64, sc.parallel_access}
      %dma_start3A_80 = arith.constant 4096 : i32
      %dma_start3A_81 = tpu.memref_slice %arg4[%add3A_11, %dma_start3A_80] : memref<832x16384xf32, #tpu.memory_space<hbm>> -> memref<1x2048xf32, #tpu.memory_space<hbm>>
      %dma_start3A_82 = tpu.memref_squeeze %dma_start3A_81 : memref<1x2048xf32, #tpu.memory_space<hbm>> -> memref<2048xf32, #tpu.memory_space<hbm>>
      %dma_start3A_83 = arith.constant 4096 : i32
      %dma_start3A_84 = tpu.memref_slice %arg4[%add3A_11, %dma_start3A_83] : memref<832x16384xf32, #tpu.memory_space<hbm>> -> memref<1x2048xf32, #tpu.memory_space<hbm>>
      %dma_start3A_85 = tpu.memref_squeeze %dma_start3A_84 : memref<1x2048xf32, #tpu.memory_space<hbm>> -> memref<2048xf32, #tpu.memory_space<hbm>>
      tpu.enqueue_dma source(%arg7 : memref<2048xf32, #tpu.memory_space<vmem>>) target(%dma_start3A_85 : memref<2048xf32, #tpu.memory_space<hbm>>) target_semaphore(%arg9 : memref<!tpu.dma_semaphore, #tpu.memory_space<semaphore_mem>>)
      %dma_wait3A_86 = arith.constant 2048 : i32
      %dma_wait3A_87 = tpu.memref_slice %arg4[%add3A_11, %dma_wait3A_86] : memref<832x16384xf32, #tpu.memory_space<hbm>> -> memref<1x2048xf32, #tpu.memory_space<hbm>>
      %dma_wait3A_88 = tpu.memref_squeeze %dma_wait3A_87 : memref<1x2048xf32, #tpu.memory_space<hbm>> -> memref<2048xf32, #tpu.memory_space<hbm>>
      %dma_wait3A_89 = arith.constant 2048 : i32
      %dma_wait3A_90 = tpu.memref_slice %arg4[%add3A_11, %dma_wait3A_89] : memref<832x16384xf32, #tpu.memory_space<hbm>> -> memref<1x2048xf32, #tpu.memory_space<hbm>>
      %dma_wait3A_91 = tpu.memref_squeeze %dma_wait3A_90 : memref<1x2048xf32, #tpu.memory_space<hbm>> -> memref<2048xf32, #tpu.memory_space<hbm>>
      tpu.wait_dma2 semaphore(%arg10 : memref<!tpu.dma_semaphore, #tpu.memory_space<semaphore_mem>>) src(%arg8 : memref<2048xf32, #tpu.memory_space<vmem>>) dst(%dma_wait3A_91 : memref<2048xf32, #tpu.memory_space<hbm>>)
      %parallel_loop3A_92 = arith.constant 0 : i32
      %parallel_loop3A_93 = arith.constant 2048 : i32
      %parallel_loop3A_94 = arith.constant 16 : i32
      scf.for %parallel_loop3A_173 = %parallel_loop3A_92 to %parallel_loop3A_93 step %parallel_loop3A_94  : i32 {
        %parallel_loop3A_174 = arith.constant 6144 : i32
        %parallel_loop3A_175 = arith.addi %parallel_loop3A_174, %parallel_loop3A_173 : i32
        %parallel_loop3A_176 = arith.index_cast %parallel_loop3A_175 : i32 to index
        %parallel_loop3A_177 = tpu.vector_load %arg6[%parallel_loop3A_176] {strides = array<i32>} : memref<16384xi32, #tpu.memory_space<vmem>>, vector<16xi32>,
        %parallel_loop3A_178 = tpu.vector_load_idx %arg5[%parallel_loop3A_177] : memref<100000xf32, #tpu.memory_space<vmem>>[vector<16xi32>], vector<16xf32>,
        %parallel_loop3A_179 = arith.index_cast %parallel_loop3A_173 : i32 to index
        %parallel_loop3A_180 = tpu.vector_load %arg8[%parallel_loop3A_179] {strides = array<i32>} : memref<2048xf32, #tpu.memory_space<vmem>>, vector<16xf32>,
        tpu.vector_store %arg8[%parallel_loop3A_179], %parallel_loop3A_178 {strides = array<i32>} : memref<2048xf32, #tpu.memory_space<vmem>>, vector<16xf32>,
      } {sc.loop_unroll_factor = 16 : i64, sc.parallel_access}
      %dma_start3A_95 = arith.constant 6144 : i32
      %dma_start3A_96 = tpu.memref_slice %arg4[%add3A_11, %dma_start3A_95] : memref<832x16384xf32, #tpu.memory_space<hbm>> -> memref<1x2048xf32, #tpu.memory_space<hbm>>
      %dma_start3A_97 = tpu.memref_squeeze %dma_start3A_96 : memref<1x2048xf32, #tpu.memory_space<hbm>> -> memref<2048xf32, #tpu.memory_space<hbm>>
      %dma_start3A_98 = arith.constant 6144 : i32
      %dma_start3A_99 = tpu.memref_slice %arg4[%add3A_11, %dma_start3A_98] : memref<832x16384xf32, #tpu.memory_space<hbm>> -> memref<1x2048xf32, #tpu.memory_space<hbm>>
      %dma_start3A_100 = tpu.memref_squeeze %dma_start3A_99 : memref<1x2048xf32, #tpu.memory_space<hbm>> -> memref<2048xf32, #tpu.memory_space<hbm>>
      tpu.enqueue_dma source(%arg8 : memref<2048xf32, #tpu.memory_space<vmem>>) target(%dma_start3A_100 : memref<2048xf32, #tpu.memory_space<hbm>>) target_semaphore(%arg10 : memref<!tpu.dma_semaphore, #tpu.memory_space<semaphore_mem>>)
      %dma_wait3A_101 = arith.constant 4096 : i32
      %dma_wait3A_102 = tpu.memref_slice %arg4[%add3A_11, %dma_wait3A_101] : memref<832x16384xf32, #tpu.memory_space<hbm>> -> memref<1x2048xf32, #tpu.memory_space<hbm>>
      %dma_wait3A_103 = tpu.memref_squeeze %dma_wait3A_102 : memref<1x2048xf32, #tpu.memory_space<hbm>> -> memref<2048xf32, #tpu.memory_space<hbm>>
      %dma_wait3A_104 = arith.constant 4096 : i32
      %dma_wait3A_105 = tpu.memref_slice %arg4[%add3A_11, %dma_wait3A_104] : memref<832x16384xf32, #tpu.memory_space<hbm>> -> memref<1x2048xf32, #tpu.memory_space<hbm>>
      %dma_wait3A_106 = tpu.memref_squeeze %dma_wait3A_105 : memref<1x2048xf32, #tpu.memory_space<hbm>> -> memref<2048xf32, #tpu.memory_space<hbm>>
      tpu.wait_dma2 semaphore(%arg9 : memref<!tpu.dma_semaphore, #tpu.memory_space<semaphore_mem>>) src(%arg7 : memref<2048xf32, #tpu.memory_space<vmem>>) dst(%dma_wait3A_106 : memref<2048xf32, #tpu.memory_space<hbm>>)
      %parallel_loop3A_107 = arith.constant 0 : i32
      %parallel_loop3A_108 = arith.constant 2048 : i32
      %parallel_loop3A_109 = arith.constant 16 : i32
      scf.for %parallel_loop3A_173 = %parallel_loop3A_107 to %parallel_loop3A_108 step %parallel_loop3A_109  : i32 {
        %parallel_loop3A_174 = arith.constant 8192 : i32
        %parallel_loop3A_175 = arith.addi %parallel_loop3A_174, %parallel_loop3A_173 : i32
        %parallel_loop3A_176 = arith.index_cast %parallel_loop3A_175 : i32 to index
        %parallel_loop3A_177 = tpu.vector_load %arg6[%parallel_loop3A_176] {strides = array<i32>} : memref<16384xi32, #tpu.memory_space<vmem>>, vector<16xi32>,
        %parallel_loop3A_178 = tpu.vector_load_idx %arg5[%parallel_loop3A_177] : memref<100000xf32, #tpu.memory_space<vmem>>[vector<16xi32>], vector<16xf32>,
        %parallel_loop3A_179 = arith.index_cast %parallel_loop3A_173 : i32 to index
        %parallel_loop3A_180 = tpu.vector_load %arg7[%parallel_loop3A_179] {strides = array<i32>} : memref<2048xf32, #tpu.memory_space<vmem>>, vector<16xf32>,
        tpu.vector_store %arg7[%parallel_loop3A_179], %parallel_loop3A_178 {strides = array<i32>} : memref<2048xf32, #tpu.memory_space<vmem>>, vector<16xf32>,
      } {sc.loop_unroll_factor = 16 : i64, sc.parallel_access}
      %dma_start3A_110 = arith.constant 8192 : i32
      %dma_start3A_111 = tpu.memref_slice %arg4[%add3A_11, %dma_start3A_110] : memref<832x16384xf32, #tpu.memory_space<hbm>> -> memref<1x2048xf32, #tpu.memory_space<hbm>>
      %dma_start3A_112 = tpu.memref_squeeze %dma_start3A_111 : memref<1x2048xf32, #tpu.memory_space<hbm>> -> memref<2048xf32, #tpu.memory_space<hbm>>
      %dma_start3A_113 = arith.constant 8192 : i32
      %dma_start3A_114 = tpu.memref_slice %arg4[%add3A_11, %dma_start3A_113] : memref<832x16384xf32, #tpu.memory_space<hbm>> -> memref<1x2048xf32, #tpu.memory_space<hbm>>
      %dma_start3A_115 = tpu.memref_squeeze %dma_start3A_114 : memref<1x2048xf32, #tpu.memory_space<hbm>> -> memref<2048xf32, #tpu.memory_space<hbm>>
      tpu.enqueue_dma source(%arg7 : memref<2048xf32, #tpu.memory_space<vmem>>) target(%dma_start3A_115 : memref<2048xf32, #tpu.memory_space<hbm>>) target_semaphore(%arg9 : memref<!tpu.dma_semaphore, #tpu.memory_space<semaphore_mem>>)
      %dma_wait3A_116 = arith.constant 6144 : i32
      %dma_wait3A_117 = tpu.memref_slice %arg4[%add3A_11, %dma_wait3A_116] : memref<832x16384xf32, #tpu.memory_space<hbm>> -> memref<1x2048xf32, #tpu.memory_space<hbm>>
      %dma_wait3A_118 = tpu.memref_squeeze %dma_wait3A_117 : memref<1x2048xf32, #tpu.memory_space<hbm>> -> memref<2048xf32, #tpu.memory_space<hbm>>
      %dma_wait3A_119 = arith.constant 6144 : i32
      %dma_wait3A_120 = tpu.memref_slice %arg4[%add3A_11, %dma_wait3A_119] : memref<832x16384xf32, #tpu.memory_space<hbm>> -> memref<1x2048xf32, #tpu.memory_space<hbm>>
      %dma_wait3A_121 = tpu.memref_squeeze %dma_wait3A_120 : memref<1x2048xf32, #tpu.memory_space<hbm>> -> memref<2048xf32, #tpu.memory_space<hbm>>
      tpu.wait_dma2 semaphore(%arg10 : memref<!tpu.dma_semaphore, #tpu.memory_space<semaphore_mem>>) src(%arg8 : memref<2048xf32, #tpu.memory_space<vmem>>) dst(%dma_wait3A_121 : memref<2048xf32, #tpu.memory_space<hbm>>)
      %parallel_loop3A_122 = arith.constant 0 : i32
      %parallel_loop3A_123 = arith.constant 2048 : i32
      %parallel_loop3A_124 = arith.constant 16 : i32
      scf.for %parallel_loop3A_173 = %parallel_loop3A_122 to %parallel_loop3A_123 step %parallel_loop3A_124  : i32 {
        %parallel_loop3A_174 = arith.constant 10240 : i32
        %parallel_loop3A_175 = arith.addi %parallel_loop3A_174, %parallel_loop3A_173 : i32
        %parallel_loop3A_176 = arith.index_cast %parallel_loop3A_175 : i32 to index
        %parallel_loop3A_177 = tpu.vector_load %arg6[%parallel_loop3A_176] {strides = array<i32>} : memref<16384xi32, #tpu.memory_space<vmem>>, vector<16xi32>,
        %parallel_loop3A_178 = tpu.vector_load_idx %arg5[%parallel_loop3A_177] : memref<100000xf32, #tpu.memory_space<vmem>>[vector<16xi32>], vector<16xf32>,
        %parallel_loop3A_179 = arith.index_cast %parallel_loop3A_173 : i32 to index
        %parallel_loop3A_180 = tpu.vector_load %arg8[%parallel_loop3A_179] {strides = array<i32>} : memref<2048xf32, #tpu.memory_space<vmem>>, vector<16xf32>,
        tpu.vector_store %arg8[%parallel_loop3A_179], %parallel_loop3A_178 {strides = array<i32>} : memref<2048xf32, #tpu.memory_space<vmem>>, vector<16xf32>,
      } {sc.loop_unroll_factor = 16 : i64, sc.parallel_access}
      %dma_start3A_125 = arith.constant 10240 : i32
      %dma_start3A_126 = tpu.memref_slice %arg4[%add3A_11, %dma_start3A_125] : memref<832x16384xf32, #tpu.memory_space<hbm>> -> memref<1x2048xf32, #tpu.memory_space<hbm>>
      %dma_start3A_127 = tpu.memref_squeeze %dma_start3A_126 : memref<1x2048xf32, #tpu.memory_space<hbm>> -> memref<2048xf32, #tpu.memory_space<hbm>>
      %dma_start3A_128 = arith.constant 10240 : i32
      %dma_start3A_129 = tpu.memref_slice %arg4[%add3A_11, %dma_start3A_128] : memref<832x16384xf32, #tpu.memory_space<hbm>> -> memref<1x2048xf32, #tpu.memory_space<hbm>>
      %dma_start3A_130 = tpu.memref_squeeze %dma_start3A_129 : memref<1x2048xf32, #tpu.memory_space<hbm>> -> memref<2048xf32, #tpu.memory_space<hbm>>
      tpu.enqueue_dma source(%arg8 : memref<2048xf32, #tpu.memory_space<vmem>>) target(%dma_start3A_130 : memref<2048xf32, #tpu.memory_space<hbm>>) target_semaphore(%arg10 : memref<!tpu.dma_semaphore, #tpu.memory_space<semaphore_mem>>)
      %dma_wait3A_131 = arith.constant 8192 : i32
      %dma_wait3A_132 = tpu.memref_slice %arg4[%add3A_11, %dma_wait3A_131] : memref<832x16384xf32, #tpu.memory_space<hbm>> -> memref<1x2048xf32, #tpu.memory_space<hbm>>
      %dma_wait3A_133 = tpu.memref_squeeze %dma_wait3A_132 : memref<1x2048xf32, #tpu.memory_space<hbm>> -> memref<2048xf32, #tpu.memory_space<hbm>>
      %dma_wait3A_134 = arith.constant 8192 : i32
      %dma_wait3A_135 = tpu.memref_slice %arg4[%add3A_11, %dma_wait3A_134] : memref<832x16384xf32, #tpu.memory_space<hbm>> -> memref<1x2048xf32, #tpu.memory_space<hbm>>
      %dma_wait3A_136 = tpu.memref_squeeze %dma_wait3A_135 : memref<1x2048xf32, #tpu.memory_space<hbm>> -> memref<2048xf32, #tpu.memory_space<hbm>>
      tpu.wait_dma2 semaphore(%arg9 : memref<!tpu.dma_semaphore, #tpu.memory_space<semaphore_mem>>) src(%arg7 : memref<2048xf32, #tpu.memory_space<vmem>>) dst(%dma_wait3A_136 : memref<2048xf32, #tpu.memory_space<hbm>>)
      %parallel_loop3A_137 = arith.constant 0 : i32
      %parallel_loop3A_138 = arith.constant 2048 : i32
      %parallel_loop3A_139 = arith.constant 16 : i32
      scf.for %parallel_loop3A_173 = %parallel_loop3A_137 to %parallel_loop3A_138 step %parallel_loop3A_139  : i32 {
        %parallel_loop3A_174 = arith.constant 12288 : i32
        %parallel_loop3A_175 = arith.addi %parallel_loop3A_174, %parallel_loop3A_173 : i32
        %parallel_loop3A_176 = arith.index_cast %parallel_loop3A_175 : i32 to index
        %parallel_loop3A_177 = tpu.vector_load %arg6[%parallel_loop3A_176] {strides = array<i32>} : memref<16384xi32, #tpu.memory_space<vmem>>, vector<16xi32>,
        %parallel_loop3A_178 = tpu.vector_load_idx %arg5[%parallel_loop3A_177] : memref<100000xf32, #tpu.memory_space<vmem>>[vector<16xi32>], vector<16xf32>,
        %parallel_loop3A_179 = arith.index_cast %parallel_loop3A_173 : i32 to index
        %parallel_loop3A_180 = tpu.vector_load %arg7[%parallel_loop3A_179] {strides = array<i32>} : memref<2048xf32, #tpu.memory_space<vmem>>, vector<16xf32>,
        tpu.vector_store %arg7[%parallel_loop3A_179], %parallel_loop3A_178 {strides = array<i32>} : memref<2048xf32, #tpu.memory_space<vmem>>, vector<16xf32>,
      } {sc.loop_unroll_factor = 16 : i64, sc.parallel_access}
      %dma_start3A_140 = arith.constant 12288 : i32
      %dma_start3A_141 = tpu.memref_slice %arg4[%add3A_11, %dma_start3A_140] : memref<832x16384xf32, #tpu.memory_space<hbm>> -> memref<1x2048xf32, #tpu.memory_space<hbm>>
      %dma_start3A_142 = tpu.memref_squeeze %dma_start3A_141 : memref<1x2048xf32, #tpu.memory_space<hbm>> -> memref<2048xf32, #tpu.memory_space<hbm>>
      %dma_start3A_143 = arith.constant 12288 : i32
      %dma_start3A_144 = tpu.memref_slice %arg4[%add3A_11, %dma_start3A_143] : memref<832x16384xf32, #tpu.memory_space<hbm>> -> memref<1x2048xf32, #tpu.memory_space<hbm>>
      %dma_start3A_145 = tpu.memref_squeeze %dma_start3A_144 : memref<1x2048xf32, #tpu.memory_space<hbm>> -> memref<2048xf32, #tpu.memory_space<hbm>>
      tpu.enqueue_dma source(%arg7 : memref<2048xf32, #tpu.memory_space<vmem>>) target(%dma_start3A_145 : memref<2048xf32, #tpu.memory_space<hbm>>) target_semaphore(%arg9 : memref<!tpu.dma_semaphore, #tpu.memory_space<semaphore_mem>>)
      %dma_wait3A_146 = arith.constant 10240 : i32
      %dma_wait3A_147 = tpu.memref_slice %arg4[%add3A_11, %dma_wait3A_146] : memref<832x16384xf32, #tpu.memory_space<hbm>> -> memref<1x2048xf32, #tpu.memory_space<hbm>>
      %dma_wait3A_148 = tpu.memref_squeeze %dma_wait3A_147 : memref<1x2048xf32, #tpu.memory_space<hbm>> -> memref<2048xf32, #tpu.memory_space<hbm>>
      %dma_wait3A_149 = arith.constant 10240 : i32
      %dma_wait3A_150 = tpu.memref_slice %arg4[%add3A_11, %dma_wait3A_149] : memref<832x16384xf32, #tpu.memory_space<hbm>> -> memref<1x2048xf32, #tpu.memory_space<hbm>>
      %dma_wait3A_151 = tpu.memref_squeeze %dma_wait3A_150 : memref<1x2048xf32, #tpu.memory_space<hbm>> -> memref<2048xf32, #tpu.memory_space<hbm>>
      tpu.wait_dma2 semaphore(%arg10 : memref<!tpu.dma_semaphore, #tpu.memory_space<semaphore_mem>>) src(%arg8 : memref<2048xf32, #tpu.memory_space<vmem>>) dst(%dma_wait3A_151 : memref<2048xf32, #tpu.memory_space<hbm>>)
      %parallel_loop3A_152 = arith.constant 0 : i32
      %parallel_loop3A_153 = arith.constant 2048 : i32
      %parallel_loop3A_154 = arith.constant 16 : i32
      scf.for %parallel_loop3A_173 = %parallel_loop3A_152 to %parallel_loop3A_153 step %parallel_loop3A_154  : i32 {
        %parallel_loop3A_174 = arith.constant 14336 : i32
        %parallel_loop3A_175 = arith.addi %parallel_loop3A_174, %parallel_loop3A_173 : i32
        %parallel_loop3A_176 = arith.index_cast %parallel_loop3A_175 : i32 to index
        %parallel_loop3A_177 = tpu.vector_load %arg6[%parallel_loop3A_176] {strides = array<i32>} : memref<16384xi32, #tpu.memory_space<vmem>>, vector<16xi32>,
        %parallel_loop3A_178 = tpu.vector_load_idx %arg5[%parallel_loop3A_177] : memref<100000xf32, #tpu.memory_space<vmem>>[vector<16xi32>], vector<16xf32>,
        %parallel_loop3A_179 = arith.index_cast %parallel_loop3A_173 : i32 to index
        %parallel_loop3A_180 = tpu.vector_load %arg8[%parallel_loop3A_179] {strides = array<i32>} : memref<2048xf32, #tpu.memory_space<vmem>>, vector<16xf32>,
        tpu.vector_store %arg8[%parallel_loop3A_179], %parallel_loop3A_178 {strides = array<i32>} : memref<2048xf32, #tpu.memory_space<vmem>>, vector<16xf32>,
      } {sc.loop_unroll_factor = 16 : i64, sc.parallel_access}
      %dma_start3A_155 = arith.constant 14336 : i32
      %dma_start3A_156 = tpu.memref_slice %arg4[%add3A_11, %dma_start3A_155] : memref<832x16384xf32, #tpu.memory_space<hbm>> -> memref<1x2048xf32, #tpu.memory_space<hbm>>
      %dma_start3A_157 = tpu.memref_squeeze %dma_start3A_156 : memref<1x2048xf32, #tpu.memory_space<hbm>> -> memref<2048xf32, #tpu.memory_space<hbm>>
      %dma_start3A_158 = arith.constant 14336 : i32
      %dma_start3A_159 = tpu.memref_slice %arg4[%add3A_11, %dma_start3A_158] : memref<832x16384xf32, #tpu.memory_space<hbm>> -> memref<1x2048xf32, #tpu.memory_space<hbm>>
      %dma_start3A_160 = tpu.memref_squeeze %dma_start3A_159 : memref<1x2048xf32, #tpu.memory_space<hbm>> -> memref<2048xf32, #tpu.memory_space<hbm>>
      tpu.enqueue_dma source(%arg8 : memref<2048xf32, #tpu.memory_space<vmem>>) target(%dma_start3A_160 : memref<2048xf32, #tpu.memory_space<hbm>>) target_semaphore(%arg10 : memref<!tpu.dma_semaphore, #tpu.memory_space<semaphore_mem>>)
      %dma_wait3A_161 = arith.constant 12288 : i32
      %dma_wait3A_162 = tpu.memref_slice %arg4[%add3A_11, %dma_wait3A_161] : memref<832x16384xf32, #tpu.memory_space<hbm>> -> memref<1x2048xf32, #tpu.memory_space<hbm>>
      %dma_wait3A_163 = tpu.memref_squeeze %dma_wait3A_162 : memref<1x2048xf32, #tpu.memory_space<hbm>> -> memref<2048xf32, #tpu.memory_space<hbm>>
      %dma_wait3A_164 = arith.constant 12288 : i32
      %dma_wait3A_165 = tpu.memref_slice %arg4[%add3A_11, %dma_wait3A_164] : memref<832x16384xf32, #tpu.memory_space<hbm>> -> memref<1x2048xf32, #tpu.memory_space<hbm>>
      %dma_wait3A_166 = tpu.memref_squeeze %dma_wait3A_165 : memref<1x2048xf32, #tpu.memory_space<hbm>> -> memref<2048xf32, #tpu.memory_space<hbm>>
      tpu.wait_dma2 semaphore(%arg9 : memref<!tpu.dma_semaphore, #tpu.memory_space<semaphore_mem>>) src(%arg7 : memref<2048xf32, #tpu.memory_space<vmem>>) dst(%dma_wait3A_166 : memref<2048xf32, #tpu.memory_space<hbm>>)
      %dma_wait3A_167 = arith.constant 14336 : i32
      %dma_wait3A_168 = tpu.memref_slice %arg4[%add3A_11, %dma_wait3A_167] : memref<832x16384xf32, #tpu.memory_space<hbm>> -> memref<1x2048xf32, #tpu.memory_space<hbm>>
      %dma_wait3A_169 = tpu.memref_squeeze %dma_wait3A_168 : memref<1x2048xf32, #tpu.memory_space<hbm>> -> memref<2048xf32, #tpu.memory_space<hbm>>
      %dma_wait3A_170 = arith.constant 14336 : i32
      %dma_wait3A_171 = tpu.memref_slice %arg4[%add3A_11, %dma_wait3A_170] : memref<832x16384xf32, #tpu.memory_space<hbm>> -> memref<1x2048xf32, #tpu.memory_space<hbm>>
      %dma_wait3A_172 = tpu.memref_squeeze %dma_wait3A_171 : memref<1x2048xf32, #tpu.memory_space<hbm>> -> memref<2048xf32, #tpu.memory_space<hbm>>
      tpu.wait_dma2 semaphore(%arg10 : memref<!tpu.dma_semaphore, #tpu.memory_space<semaphore_mem>>) src(%arg8 : memref<2048xf32, #tpu.memory_space<vmem>>) dst(%dma_wait3A_172 : memref<2048xf32, #tpu.memory_space<hbm>>)
      scf.yield %select_n3A : i32
    }
    %scan3A_6 = arith.constant 26 : i32
    return
  }
}

</mosaic_0001>

<sc_bundles>
// kernel: kernel.3.cloned.1.call-start
scs
__scs_entry_jumppad:
0x0: {  	(pc) =	sbr.rel $0x88, $3  }
0x1: {  	(tag) =	ssettag $0x0;
	lr =	simm.s32 $0x1  }
0x2: {  	[smem:$0x3F9F] =	sst lr;
	_ =	strace $0xD0000000  }
0x3: {  	_ = 	snop  }
0x4: {  	_ = 	snop  }
0x5: {  	_ = 	snop  }
0x6: {  	_ = 	snop  }
0x7: {  	_ = 	snop  }
__scs_overlays_trampoline_lowered:
0x8: {  	[smem:$0x3FAE] =	sst s0  }
0x9: {  	[smem:$0x3FAF] =	sst s1  }
0xa: {  	[smem:$0x3FB0] =	sst s2  }
0xb: {  	[smem:$0x3FB1] =	sst s3  }
0xc: {  	[smem:$0x3FB2] =	sst s4  }
0xd: {  	[smem:$0x3FB3] =	sst s5  }
0xe: {  	[smem:$0x3FB4] =	sst s6  }
0xf: {  	[smem:$0x3FB5] =	sst s7  }
0x10: {  	[smem:$0x3FB6] =	sst s8  }
0x11: {  	[smem:$0x3FB7] =	sst s9;
	s0 =	simm.s32 @!p0 $0x0  }
0x12: {  	s1 =	sld [smem:$0x3F9D];
	s0 =	simm.s32 @p0 $0x1  }
0x13: {  	[smem:$0x3FB8] =	sst s0;
	s0 =	simm.s32 @!p1 $0x0  }
0x14: {  	s2 =	sld [smem:$0x3F9C];
	s0 =	simm.s32 @p1 $0x1  }
0x15: {  	[smem:$0x3FB9] =	sst s0;
	s0 =	simm.s32 @!p2 $0x0  }
0x16: {  	s3 =	sld [smem:$0x3FDB];
	s0 =	simm.s32 @p2 $0x1  }
0x17: {  	s4 =	simm.s32 $0x1BF5;
	[smem:$0x3FBB] =	sst s0  }
0x18: {  	s0 =	sld [smem:$0x3F9E];
	_ =	swait.ge [sflag:s4], $0x0  }
0x19: {  	s7 =	sld [smem:$0x3F9F]  }
0x1a: {  	s8 =	sadd.s32 $0xFFFFE003, lr  }
0x1b: {  	s9 =	sadd.s32 $0xFFFFFEF7, lr;
	s5 =	simm.s32 $0xFFFFFFFF;
	p2 =	slt.u32 s8, $0xFFFFF086  }
0x1c: {  	p1 =	slt.u32 s9, $0xF7A;
	s5 =	simm.s32 @!p2 $0x0  }
0x1d: {  	s5 =	simm.s32 @p1 $0x1;
	p0 =	seq.s32 s7, s2  }
0x1e: {  	s7 =	smul.u32 @!p0 $0xF7A, s2;
	p2 =	seq.s32 @!p0 s5, $0x0  }
0x1f: {  	s9 =	smul.u32 $0xF7A, s1;
	s8 =	simm.s32 @!p0 $0x1BF5;
	p2 =	por !p2, p0  }
0x20: {  	[sflag:s8] =	ssyncset.s32 @!p0 $0xFFFFF086;
	s6 =	sadd.s32 @!p0 s3, s7;
	s7 =	simm.s32 @!p0 $0x108  }
0x21: {  	s3 =	sadd.s32 s3, s9;
	s6 =	sadd.s32 @!p0 $0x88, s6;
	s7 =	simm.s32 @p2 $0x1082  }
0x22: {  	[simem:s7], [sflag:s8] =	dma.local @!p0 [hbm:s6], $0xF7A  }
0x23: {  	s9 =	sor.u32 $0xD0000000, s2;
	s6 =	simm.s32 $0x108;
	_ =	swait.ge @!p0 [sflag:s8], $0x0  }
0x24: {  	s3 =	sadd.s32 $0x88, s3;
	s6 =	simm.s32 @!p1 $0x1082;
	[sflag:s4] =	ssyncset.s32 $0xFFFFF086  }
0x25: {  	[simem:s6], [sflag:s4] =	dma.local [hbm:s3], $0xF7A  }
0x26: {  	[smem:$0x3F9F] =	sst s1;
	(tag) =	ssettag s2;
	_ =	strace s9  }
0x27: {  	s1 =	sld [smem:$0x3FAF]  }
0x28: {  	s2 =	sld [smem:$0x3FB0]  }
0x29: {  	s4 =	sld [smem:$0x3FB2]  }
0x2a: {  	p0 =	seq.s32 s5, $0x0;
	s5 =	sld [smem:$0x3FB3]  }
0x2b: {  	s6 =	sld [smem:$0x3FB4]  }
0x2c: {  	s7 =	sld [smem:$0x3FB5]  }
0x2d: {  	s3 =	simm.s32 $0x108;
	s8 =	sld [smem:$0x3FB6]  }
0x2e: {  	s3 =	simm.s32 @!p0 $0x1082;
	s9 =	sld [smem:$0x3FB7]  }
0x2f: {  	lr =	sadd.s32 s0, s3;
	s0 =	sld [smem:$0x3FAE]  }
0x30: {  	s3 =	sld [smem:$0x3FB1]  }
0x31: {  	[smem:$0x3FBA] =	sst s10  }
0x32: {  	s10 =	sld [smem:$0x3FB8];
	_ =	sdelay $0x3  }
0x33: {  	p0 =	seq.s32 s10, $0x1;
	s10 =	sld [smem:$0x3FBA];
	_ =	sdelay $0x3  }
0x34: {  	[smem:$0x3FBA] =	sst s10  }
0x35: {  	s10 =	sld [smem:$0x3FB9];
	_ =	sdelay $0x3  }
0x36: {  	p1 =	seq.s32 s10, $0x1;
	s10 =	sld [smem:$0x3FBA];
	_ =	sdelay $0x3  }
0x37: {  	[smem:$0x3FBA] =	sst s10  }
0x38: {  	s10 =	sld [smem:$0x3FBB]  }
0x39: {  	_ = 	snop;
	(pc) =	sbr.ind lr, $3  }
0x3a: {  	_ = 	snop  }
0x3b: {  	_ = 	snop  }
0x3c: {  	p2 =	seq.s32 s10, $0x1;
	s10 =	sld [smem:$0x3FBA]  }
0x3d: {  	_ =	shalt  }
0x3e: {  	_ =	shalt  }
0x3f: {  	_ =	shalt  }
0x40: {  	_ =	shalt  }
0x41: {  	_ =	shalt  }
0x42: {  	_ =	shalt  }
0x43: {  	_ =	shalt  }
0x44: {  	_ =	shalt  }
0x45: {  	_ =	shalt  }
0x46: {  	_ =	shalt  }
0x47: {  	_ =	shalt  }
0x48: {  	_ =	shalt  }
0x49: {  	_ =	shalt  }
0x4a: {  	_ =	shalt  }
0x4b: {  	_ =	shalt  }
0x4c: {  	_ =	shalt  }
0x4d: {  	_ =	shalt  }
0x4e: {  	_ =	shalt  }
0x4f: {  	_ =	shalt  }
0x50: {  	_ =	shalt  }
0x51: {  	_ =	shalt  }
0x52: {  	_ =	shalt  }
0x53: {  	_ =	shalt  }
0x54: {  	_ =	shalt  }
0x55: {  	_ =	shalt  }
0x56: {  	_ =	shalt  }
0x57: {  	_ =	shalt  }
0x58: {  	_ =	shalt  }
0x59: {  	_ =	shalt  }
0x5a: {  	_ =	shalt  }
0x5b: {  	_ =	shalt  }
0x5c: {  	_ =	shalt  }
0x5d: {  	_ =	shalt  }
0x5e: {  	_ =	shalt  }
0x5f: {  	_ =	shalt  }
0x60: {  	_ =	shalt  }
0x61: {  	_ =	shalt  }
0x62: {  	_ =	shalt  }
0x63: {  	_ =	shalt  }
0x64: {  	_ =	shalt  }
0x65: {  	_ =	shalt  }
0x66: {  	_ =	shalt  }
0x67: {  	_ =	shalt  }
0x68: {  	_ =	shalt  }
0x69: {  	_ =	shalt  }
0x6a: {  	_ =	shalt  }
0x6b: {  	_ =	shalt  }
0x6c: {  	_ =	shalt  }
0x6d: {  	_ =	shalt  }
0x6e: {  	_ =	shalt  }
0x6f: {  	_ =	shalt  }
0x70: {  	_ =	shalt  }
0x71: {  	_ =	shalt  }
0x72: {  	_ =	shalt  }
0x73: {  	_ =	shalt  }
0x74: {  	_ =	shalt  }
0x75: {  	_ =	shalt  }
0x76: {  	_ =	shalt  }
0x77: {  	_ =	shalt  }
0x78: {  	_ =	shalt  }
0x79: {  	_ =	shalt  }
0x7a: {  	_ =	shalt  }
0x7b: {  	_ =	shalt  }
0x7c: {  	_ =	shalt  }
0x7d: {  	_ =	shalt  }
0x7e: {  	_ =	shalt  }
0x7f: {  	_ =	shalt  }
0x80: {  	_ =	shalt  }
0x81: {  	_ =	shalt  }
0x82: {  	_ =	shalt  }
0x83: {  	_ =	shalt  }
0x84: {  	_ =	shalt  }
0x85: {  	_ =	shalt  }
0x86: {  	_ =	shalt  }
0x87: {  	_ =	shalt  }
.Lfunc_end0:
.L_simem_size_0:
called_computation_lowered:
.L_overlay_start_0:
0x88: {  	s2 =	sld [smem:$0x3FD9]  }
0x89: {  	s3 =	sld [smem:$0x3FFE];
	_ =	sdelay $0x1  }
0x8a: {  	s1 =	srdreg.scid  }
0x8b: {  	s0 =	sand.u32 $0x1, s1  }
0x8c: {  	s18 =	sshll.u32 s0, $0xA;
	s2 =	sadd.s32 s3, s2  }
0x8d: {  	s2 =	sadd.s32 s2, s18  }
0x8e: {  	[smem:$0x3FC6] =	sst s2  }
0x8f: {  	_ = 	snop  }
0x90: {  	s2 =	sld [smem:$0x3FC9]  }
0x91: {  	s19 =	sld [smem:$0x3FC8]  }
0x92: {  	s4 =	sld [smem:$0x3FD0];
	(tm) =	ssettm $0x1  }
0x93: {  	s5 =	sld [smem:$0x3FFB];
	_ =	sdelay $0x3  }
0x94: {  	_ =	strace s5  }
0x95: {  	s5 =	sld [smem:$0x3FFC];
	_ =	sdelay $0x3  }
0x96: {  	_ =	strace s5  }
0x97: {  	s5 =	sld [smem:$0x3FFD];
	_ =	sdelay $0x3  }
0x98: {  	_ =	strace s5  }
0x99: {  	_ =	strace $0x8FFFFFFF  }
0x9a: {  	s20 =	sld [smem:$0x3FDB];
	_ =	sdelay $0x1  }
0x9b: {  	s6 =	simm.s32 $_scs_section_size  }
0x9c: {  	s7 =	simm.s32 $_size__tile_overlayer_lowered;
	s8 =	simm.s32 $_tile_overlayer_lowered  }
0x9d: {  	s23 =	simm.s32 $0x1BFF;
	s22 =	sshll.u32 s8, $0x1;
	s5 =	sadd.s32 s6, s20  }
0x9e: {  	s9 =	simm.s32 $0x0;
	s21 =	sshll.u32 s7, $0x1;
	s7 =	sadd.s32 s22, s5  }
0x9f: {  	[timem:s9], [sflag:s23] =	dma.local [hbm:s7], s21  }
0xa0: {  	_ =	swait.ge [sflag:s23], s21  }
0xa1: {  	s6 =	ssub.s32 $0x0, s21;
	[sflag:s23] =	ssyncset.done $0x0  }
0xa2: {  	[sflag:s23] =	ssyncadd.s32 s6;
	_ =	sdelay $0x1  }
0xa3: {  	s24 =	simm.s32 $0x1B8B  }
0xa4: {  	_ =	swait.ge [sflag:s24], $0x1  }
0xa5: {  	[sflag:s24] =	ssyncset.done $0x0  }
0xa6: {  	s25 =	simm.s32 $0x1B8E;
	[sflag:s24] =	ssyncadd.s32 $0xFFFFFFFF  }
0xa7: {  	s26 =	simm.s32 $execute0_lowered;
	[smem:$0x3FD2] =	sst s25  }
0xa8: {  	s6 =	sshll.u32 s26, $0x1;
	_ =	strace $0x80000046;
	[dreg:$0x1] =	wrdreg $0xFFFFFFFF  }
0xa9: {  	s28 =	simm.s32 $_size_execute0_lowered;
	s5 =	sadd.s32 s5, s6;
	[dreg:$0x0] =	wrdreg $0x0  }
0xaa: {  	s6 =	sshll.u32 s28, $0x1;
	[dreg:$0x2] =	wrdreg s5  }
0xab: {  	[dreg:$0x3] =	wrdreg s6  }
0xac: {  	[dreg:$0x4] =	wrdreg $0xC0  }
0xad: {  	_ =	task [dreg:s9], $0x5FFFF  }
0xae: {  	[dreg:$0x1] =	wrdreg $0xFFFFFFFF  }
0xaf: {  	[dreg:$0x0] =	wrdreg $0x60  }
0xb0: {  	[dreg:$0x2] =	wrdreg s19  }
0xb1: {  	[dreg:$0x3] =	wrdreg s2  }
0xb2: {  	[dreg:$0x4] =	wrdreg s4  }
0xb3: {  	[dreg:$0x5] =	wrdreg $0x9  }
0xb4: {  	_ =	task.clear_ibuf [dreg:s9], $0x6FFFF;
	_ =	strace $0x90000046  }
0xb5: {  	s29 =	simm.s32 $0x9;
	_ =	strace $0x80000048  }
0xb6: {  	_ =	swait.ge [sflag:s29], $0x1  }
0xb7: {  	[sflag:s29] =	ssyncadd.s32 $0xFFFFFFFF  }
0xb8: {  	_ =	strace $0x90000048  }
0xb9: {  	_ =	sfence  }
0xba: {  	s30 =	sld [smem:$0x0];
	_ =	sdelay $0x2  }
0xbb: {  	s31 =	sshll.u32 s1, $0xD;
	s1 =	sshrl.u32 s1, $0x2  }
0xbc: {  	s3 =	sand.u32 $0x4000, s31;
	s1 =	sadd.s32 s1, s30  }
0xbd: {  	s0 =	sor.u32 s3, s0;
	s1 =	sshll.u32 s1, $0x11  }
0xbe: {  	s0 =	sor.u32 s1, s0  }
0xbf: {  	s0 =	sadd.s32 $0x8F2B, s0  }
0xc0: {  	[sflag:s0] =	ssyncadd.remote.s32 $0x1  }
0xc1: {  	_ =	sfence.sel $0xFFFF  }
0xc2: {  	[dreg:$0x0] =	wrdreg $0xFFFFFFFF;
	(pc) =	sbr.abs _section_cstart, $3  }
0xc3: {  	[dreg:$0x1] =	wrdreg $0xFFFFFFFF  }
0xc4: {  	_ =	task.clear_ibuf [dreg:s9], $0x2FFFF;
	_ =	strace $0x9FFFFFFF  }
0xc5: {  	(tm) =	ssettm $0x7FFFFFFF  }
tec
execute0_lowered:
.L_overlay_start_1:
0x0: {  	(tag) =	ssettag $0x1  }
0x1: {  	s1 =	rddreg [dreg:$0x0]  }
0x2: {  	s3 =	rddreg [dreg:$0x1]  }
0x3: {  	s4 =	rddreg [dreg:$0x2];
	s5 =	srdreg.scid  }
0x4: {  	s0 =	rddreg [dreg:$0x3];
	s2 =	stileid.u32;
	s14 =	simm.s32 $0x80  }
0x5: {  	s15 =	simm.s32 $0x400;
	s16 =	simm.s32 $0x3;
	s17 =	simm.s32 $0x1C700  }
0x6: {  	s18 =	simm.s32 $0x1CF00;
	s19 =	simm.s32 $0x1;
	s20 =	simm.s32 $0x2  }
0x7: {  	s21 =	simm.s32 $0x0;
	s6 =	sand.u32 $0x1, s5;
	s5 =	simm.s32 $0x0  }
0x8: {  	s8 =	sshll.u32 s2, $0x1;
	s10 =	sadd.s32 $0x2000, s4;
	s11 =	sadd.s32 $0x2800, s4  }
0x9: {  	s12 =	sadd.s32 $0x3000, s4;
	s7 =	ssub.s32 $0x2, s6;
	[smem:$0x7FF] =	sst s5  }
0xa: {  	s6 =	sor.u32 s6, s8;
	s8 =	sadd.s32 $0x1000, s4;
	s9 =	sshrl.u32 s7, $0x1  }
0xb: {  	_ =	strace $0x80000047;
	s6 =	smul.u32 $0x1A, s6;
	s13 =	ssub.s32 s7, s9  }
0xc: {  	s7 =	sadd.s32 $0x800, s4;
	s9 =	sadd.s32 $0x1800, s4;
	s13 =	smax.u32 s13, $0x1  }
.LBB2_1:
0xd: {  	s23 =	simm.s32 $0xFFFFFFFF;
	s22 =	simm.s32 $0x0  }
.LBB2_2:
0xe: {  	s25 =	sadd.s32 s6, s22  }
0xf: {  	s26 =	smov.u32 s23;
	s23 =	sshrl.u32 s25, $0x5;
	s24 =	sshrl.u32 s25, $0x3  }
0x10: {  	s28 =	smul.u32 $0x30E000, s23;
	s24 =	sand.u32 $0x3, s24  }
0x11: {  	s24 =	smul.u32 $0xC3800, s24  }
0x12: {  	s29 =	sshll.u32 s25, $0x7  }
0x13: {  	s28 =	sadd.s32 s28, s24;
	s24 =	sand.u32 $0x380, s29  }
0x14: {  	s28 =	sor.u32 s24, s28  }
0x15: {  	p0 =	seq.s32 s23, s26;
	s28 =	sshrl.u32 s28, $0x3  }
0x16: {  	s26 =	sshll.u32 @!p0 s23, $0x4;
	s28 =	sadd.s32 s1, s28  }
0x17: {  	[tilespmem:s5], [sflag:$0x3] =	stream.strided.gather [hbm4b:s28+s14], $0x18700, s15, s14, $0x38;
	[tilespmem:$0x1D700] =	vst v63  }
0x18: {  	s26 =	sand.u32 @!p0 $0x70, s26;
	s28 =	sshll.u32 @!p0 s23, $0xB  }
0x19: {  	s30 =	simm.s32 @!p0 $0x18700;
	s26 =	sadd.s32 @!p0 s3, s26;
	s28 =	sand.u32 @!p0 $0xFFFC000, s28  }
0x1a: {  	s29 =	simm.s32 @!p0 $0x400;
	s26 =	sadd.s32 @!p0 s28, s26;
	s28 =	simm.s32 @!p0 $0x80  }
0x1b: {  	[tilespmem:s30], [sflag:$0x4] =	stream.strided.gather @!p0 [hbm4b:s26+s28], $0x4000, s29, s28, $0x38;
	[tilespmem:$0x1D700] =	vst v63  }
0x1c: {  	s26 =	simm.s32 @!p0 $0x4  }
0x1d: {  	_ =	swait.ge @!p0 [sflag:s26], $0x4000  }
0x1e: {  	[sflag:s26] =	ssyncset.done @!p0 $0x0  }
0x1f: {  	[sflag:s26] =	ssyncadd.s32 @!p0 $0xFFFFC000  }
0x20: {  	_ =	swait.ge [sflag:s16], $0x18700  }
0x21: {  	[sflag:s16] =	ssyncset.done $0x0  }
0x22: {  	s31 =	simm.s32 $0x18780;
	[sflag:s16] =	ssyncadd.s32 $0xFFFE7900  }
0x23: {  	v0 =	vld [tilespmem:s31+$0x70]  }
0x24: {  	v1 =	vld [tilespmem:s31+$0xFFFFFF90]  }
0x25: {  	v2 =	vld [tilespmem:s31+$0xFFFFFFA0]  }
0x26: {  	v3 =	vld [tilespmem:s31+$0xFFFFFFB0]  }
0x27: {  	v4 =	vld [tilespmem:s31+$0xFFFFFFC0]  }
0x28: {  	v5 =	vld [tilespmem:s31+$0xFFFFFFD0]  }
0x29: {  	v6 =	vld [tilespmem:s31+$0xFFFFFFE0]  }
0x2a: {  	v7 =	vld [tilespmem:s31+$0xFFFFFFF0]  }
0x2b: {  	v8 =	vld [tilespmem:s31+$0x0]  }
0x2c: {  	v9 =	vld [tilespmem:s31+$0x10]  }
0x2d: {  	v10 =	vld [tilespmem:s31+$0x20]  }
0x2e: {  	v11 =	vld [tilespmem:s31+$0x30]  }
0x2f: {  	v12 =	vld [tilespmem:s31+$0x40]  }
0x30: {  	v13 =	vld [tilespmem:s31+$0x50]  }
0x31: {  	v14 =	vld [tilespmem:s31+$0x60]  }
0x32: {  	v15 =	vld [tilespmem:s31+$0xFFFFFF80]  }
0x33: {  	v0 =	vld.idx.msk [tilespmem:v0+s5+$0x0], $0xffff  }
0x34: {  	v1 =	vld.idx.msk [tilespmem:v1+s5+$0x0], $0xffff  }
0x35: {  	v2 =	vld.idx.msk [tilespmem:v2+s5+$0x0], $0xffff  }
0x36: {  	v3 =	vld.idx.msk [tilespmem:v3+s5+$0x0], $0xffff  }
0x37: {  	v4 =	vld.idx.msk [tilespmem:v4+s5+$0x0], $0xffff  }
0x38: {  	s28 =	simm.s32 $0x1C780;
	v5 =	vld.idx.msk [tilespmem:v5+s5+$0x0], $0xffff  }
0x39: {  	v6 =	vld.idx.msk [tilespmem:v6+s5+$0x0], $0xffff;
	[tilespmem:s28+$0x70] =	vst v0  }
0x3a: {  	v7 =	vld.idx.msk [tilespmem:v7+s5+$0x0], $0xffff;
	[tilespmem:s28+$0xFFFFFF90] =	vst v1  }
0x3b: {  	v15 =	vld.idx.msk [tilespmem:v15+s5+$0x0], $0xffff;
	[tilespmem:s28+$0xFFFFFFA0] =	vst v2  }
0x3c: {  	v8 =	vld.idx.msk [tilespmem:v8+s5+$0x0], $0xffff;
	[tilespmem:s28+$0xFFFFFFB0] =	vst v3  }
0x3d: {  	[tilespmem:s28+$0xFFFFFFC0] =	vst v4;
	v0 =	vld.idx.msk [tilespmem:v9+s5+$0x0], $0xffff  }
0x3e: {  	[tilespmem:s28+$0xFFFFFFD0] =	vst v5;
	v1 =	vld.idx.msk [tilespmem:v10+s5+$0x0], $0xffff  }
0x3f: {  	[tilespmem:s28+$0xFFFFFFE0] =	vst v6;
	v2 =	vld.idx.msk [tilespmem:v11+s5+$0x0], $0xffff  }
0x40: {  	[tilespmem:s28+$0xFFFFFFF0] =	vst v7;
	v3 =	vld.idx.msk [tilespmem:v12+s5+$0x0], $0xffff  }
0x41: {  	[tilespmem:s28+$0xFFFFFF80] =	vst v15;
	v4 =	vld.idx.msk [tilespmem:v13+s5+$0x0], $0xffff  }
0x42: {  	s29 =	simm.s32 $0x18880;
	s26 =	simm.s32 $0x0;
	[tilespmem:s28+$0x0] =	vst v8;
	v5 =	vld.idx.msk [tilespmem:v14+s5+$0x0], $0xffff  }
.LBB2_3:
0x43: {  	v6 =	vld [tilespmem:s29+$0x70];
	s26 =	sadd.s32 $0x100, s26;
	[tilespmem:s28+$0x10] =	vst v0  }
0x44: {  	v0 =	vld [tilespmem:s29+$0xFFFFFF90];
	p0 =	slt.u32 s26, $0x700;
	[tilespmem:s28+$0x20] =	vst v1  }
0x45: {  	v1 =	vld [tilespmem:s29+$0xFFFFFFA0];
	[tilespmem:s28+$0x30] =	vst v2  }
0x46: {  	v2 =	vld [tilespmem:s29+$0xFFFFFFB0];
	[tilespmem:s28+$0x40] =	vst v3  }
0x47: {  	v3 =	vld [tilespmem:s29+$0xFFFFFFC0];
	[tilespmem:s28+$0x50] =	vst v4  }
0x48: {  	v4 =	vld [tilespmem:s29+$0xFFFFFFD0];
	[tilespmem:s28+$0x60] =	vst v5  }
0x49: {  	v5 =	vld [tilespmem:s29+$0xFFFFFFE0]  }
0x4a: {  	v7 =	vld [tilespmem:s29+$0xFFFFFFF0]  }
0x4b: {  	v6 =	vld.idx.msk [tilespmem:v6+s5+$0x0], $0xffff  }
0x4c: {  	v8 =	vld [tilespmem:s29+$0x0]  }
0x4d: {  	v9 =	vld [tilespmem:s29+$0x10]  }
0x4e: {  	v10 =	vld [tilespmem:s29+$0x20]  }
0x4f: {  	v11 =	vld [tilespmem:s29+$0x30]  }
0x50: {  	s28 =	sadd.s32 $0x100, s28;
	v12 =	vld [tilespmem:s29+$0x40]  }
0x51: {  	v13 =	vld [tilespmem:s29+$0x50];
	[tilespmem:s28+$0x70] =	vst v6  }
0x52: {  	v6 =	vld [tilespmem:s29+$0x60]  }
0x53: {  	v14 =	vld [tilespmem:s29+$0xFFFFFF80]  }
0x54: {  	v0 =	vld.idx.msk [tilespmem:v0+s5+$0x0], $0xffff  }
0x55: {  	v1 =	vld.idx.msk [tilespmem:v1+s5+$0x0], $0xffff  }
0x56: {  	v2 =	vld.idx.msk [tilespmem:v2+s5+$0x0], $0xffff  }
0x57: {  	v3 =	vld.idx.msk [tilespmem:v3+s5+$0x0], $0xffff  }
0x58: {  	v4 =	vld.idx.msk [tilespmem:v4+s5+$0x0], $0xffff  }
0x59: {  	v5 =	vld.idx.msk [tilespmem:v5+s5+$0x0], $0xffff  }
0x5a: {  	[tilespmem:s28+$0xFFFFFF90] =	vst v0;
	v7 =	vld.idx.msk [tilespmem:v7+s5+$0x0], $0xffff  }
0x5b: {  	v14 =	vld.idx.msk [tilespmem:v14+s5+$0x0], $0xffff;
	[tilespmem:s28+$0xFFFFFFA0] =	vst v1  }
0x5c: {  	[tilespmem:s28+$0xFFFFFFB0] =	vst v2;
	v8 =	vld.idx.msk [tilespmem:v8+s5+$0x0], $0xffff  }
0x5d: {  	[tilespmem:s28+$0xFFFFFFC0] =	vst v3;
	v0 =	vld.idx.msk [tilespmem:v9+s5+$0x0], $0xffff  }
.Ltmp0:
0x5e: {  	[tilespmem:s28+$0xFFFFFFD0] =	vst v4;
	v1 =	vld.idx.msk [tilespmem:v10+s5+$0x0], $0xffff;
	(pc) =	sbr.rel @p0 .LBB2_3-.Ltmp0, $4  }
0x5f: {  	[tilespmem:s28+$0xFFFFFFE0] =	vst v5;
	v2 =	vld.idx.msk [tilespmem:v11+s5+$0x0], $0xffff  }
0x60: {  	[tilespmem:s28+$0xFFFFFFF0] =	vst v7;
	v3 =	vld.idx.msk [tilespmem:v12+s5+$0x0], $0xffff  }
0x61: {  	[tilespmem:s28+$0xFFFFFF80] =	vst v14;
	v4 =	vld.idx.msk [tilespmem:v13+s5+$0x0], $0xffff  }
0x62: {  	s29 =	sadd.s32 $0x100, s29;
	[tilespmem:s28+$0x0] =	vst v8;
	v5 =	vld.idx.msk [tilespmem:v6+s5+$0x0], $0xffff  }
0x63: {  	[tilespmem:s28+$0x10] =	vst v0  }
0x64: {  	[tilespmem:s28+$0x20] =	vst v1;
	s25 =	sshll.u32 s25, $0xE  }
0x65: {  	[tilespmem:s28+$0x30] =	vst v2;
	s26 =	sand.u32 $0x7FFE0000, s25  }
0x66: {  	[tilespmem:s28+$0x40] =	vst v3;
	s26 =	sor.u32 s24, s26  }
0x67: {  	[tilespmem:s28+$0x50] =	vst v4;
	s26 =	sshrl.u32 s26, $0x3  }
0x68: {  	[tilespmem:s28+$0x60] =	vst v5;
	s28 =	sadd.s32 s4, s26  }
0x69: {  	[hbm4b:s28+s14] =	stream.strided.scatter [tilespmem:s17], [sflag:$0x1], $0x800, s15, s14, $0x38;
	[tilespmem:$0x1D700] =	vst v63  }
0x6a: {  	s28 =	simm.s32 $0x18FF0  }
0x6b: {  	v0 =	vld [tilespmem:s28+$0x0]  }
0x6c: {  	v1 =	vld [tilespmem:s28+$0xFFFFFF20]  }
0x6d: {  	v2 =	vld [tilespmem:s28+$0xFFFFFF30]  }
0x6e: {  	v3 =	vld [tilespmem:s28+$0xFFFFFF40]  }
0x6f: {  	v4 =	vld [tilespmem:s28+$0xFFFFFF50]  }
0x70: {  	v5 =	vld [tilespmem:s28+$0xFFFFFF60]  }
0x71: {  	v6 =	vld [tilespmem:s28+$0xFFFFFF70]  }
0x72: {  	v7 =	vld [tilespmem:s28+$0xFFFFFF80]  }
0x73: {  	v8 =	vld [tilespmem:s28+$0xFFFFFF90]  }
0x74: {  	v9 =	vld [tilespmem:s28+$0xFFFFFFA0]  }
0x75: {  	v10 =	vld [tilespmem:s28+$0xFFFFFFB0]  }
0x76: {  	v11 =	vld [tilespmem:s28+$0xFFFFFFC0]  }
0x77: {  	v12 =	vld [tilespmem:s28+$0xFFFFFFD0]  }
0x78: {  	v13 =	vld [tilespmem:s28+$0xFFFFFFE0]  }
0x79: {  	v14 =	vld [tilespmem:s28+$0xFFFFFFF0]  }
0x7a: {  	v15 =	vld [tilespmem:s28+$0xFFFFFF10]  }
0x7b: {  	v0 =	vld.idx.msk [tilespmem:v0+s5+$0x0], $0xffff  }
0x7c: {  	v1 =	vld.idx.msk [tilespmem:v1+s5+$0x0], $0xffff  }
0x7d: {  	v2 =	vld.idx.msk [tilespmem:v2+s5+$0x0], $0xffff  }
0x7e: {  	v3 =	vld.idx.msk [tilespmem:v3+s5+$0x0], $0xffff  }
0x7f: {  	v4 =	vld.idx.msk [tilespmem:v4+s5+$0x0], $0xffff  }
0x80: {  	s28 =	simm.s32 $0x1CF80;
	v5 =	vld.idx.msk [tilespmem:v5+s5+$0x0], $0xffff  }
0x81: {  	v6 =	vld.idx.msk [tilespmem:v6+s5+$0x0], $0xffff;
	[tilespmem:s28+$0x70] =	vst v0  }
0x82: {  	v7 =	vld.idx.msk [tilespmem:v7+s5+$0x0], $0xffff;
	[tilespmem:s28+$0xFFFFFF90] =	vst v1  }
0x83: {  	v15 =	vld.idx.msk [tilespmem:v15+s5+$0x0], $0xffff;
	[tilespmem:s28+$0xFFFFFFA0] =	vst v2  }
0x84: {  	v8 =	vld.idx.msk [tilespmem:v8+s5+$0x0], $0xffff;
	[tilespmem:s28+$0xFFFFFFB0] =	vst v3  }
0x85: {  	[tilespmem:s28+$0xFFFFFFC0] =	vst v4;
	v0 =	vld.idx.msk [tilespmem:v9+s5+$0x0], $0xffff  }
0x86: {  	[tilespmem:s28+$0xFFFFFFD0] =	vst v5;
	v1 =	vld.idx.msk [tilespmem:v10+s5+$0x0], $0xffff  }
0x87: {  	[tilespmem:s28+$0xFFFFFFE0] =	vst v6;
	v2 =	vld.idx.msk [tilespmem:v11+s5+$0x0], $0xffff  }
0x88: {  	[tilespmem:s28+$0xFFFFFFF0] =	vst v7;
	v3 =	vld.idx.msk [tilespmem:v12+s5+$0x0], $0xffff  }
0x89: {  	[tilespmem:s28+$0xFFFFFF80] =	vst v15;
	v4 =	vld.idx.msk [tilespmem:v13+s5+$0x0], $0xffff  }
0x8a: {  	s29 =	simm.s32 $0x0;
	s30 =	simm.s32 $0x190F0;
	[tilespmem:s28+$0x0] =	vst v8;
	v5 =	vld.idx.msk [tilespmem:v14+s5+$0x0], $0xffff  }
.LBB2_5:
0x8b: {  	v6 =	vld [tilespmem:s30+$0x0];
	s29 =	sadd.s32 $0x100, s29;
	[tilespmem:s28+$0x10] =	vst v0  }
0x8c: {  	v0 =	vld [tilespmem:s30+$0xFFFFFF20];
	p0 =	slt.u32 s29, $0x700;
	[tilespmem:s28+$0x20] =	vst v1  }
0x8d: {  	v1 =	vld [tilespmem:s30+$0xFFFFFF30];
	[tilespmem:s28+$0x30] =	vst v2  }
0x8e: {  	v2 =	vld [tilespmem:s30+$0xFFFFFF40];
	[tilespmem:s28+$0x40] =	vst v3  }
0x8f: {  	v3 =	vld [tilespmem:s30+$0xFFFFFF50];
	[tilespmem:s28+$0x50] =	vst v4  }
0x90: {  	v4 =	vld [tilespmem:s30+$0xFFFFFF60];
	[tilespmem:s28+$0x60] =	vst v5  }
0x91: {  	v5 =	vld [tilespmem:s30+$0xFFFFFF70]  }
0x92: {  	v7 =	vld [tilespmem:s30+$0xFFFFFF80]  }
0x93: {  	v6 =	vld.idx.msk [tilespmem:v6+s5+$0x0], $0xffff  }
0x94: {  	v8 =	vld [tilespmem:s30+$0xFFFFFF90]  }
0x95: {  	v9 =	vld [tilespmem:s30+$0xFFFFFFA0]  }
0x96: {  	v10 =	vld [tilespmem:s30+$0xFFFFFFB0]  }
0x97: {  	v11 =	vld [tilespmem:s30+$0xFFFFFFC0]  }
0x98: {  	s28 =	sadd.s32 $0x100, s28;
	v12 =	vld [tilespmem:s30+$0xFFFFFFD0]  }
0x99: {  	v13 =	vld [tilespmem:s30+$0xFFFFFFE0];
	[tilespmem:s28+$0x70] =	vst v6  }
0x9a: {  	v6 =	vld [tilespmem:s30+$0xFFFFFFF0]  }
0x9b: {  	v14 =	vld [tilespmem:s30+$0xFFFFFF10]  }
0x9c: {  	v0 =	vld.idx.msk [tilespmem:v0+s5+$0x0], $0xffff  }
0x9d: {  	v1 =	vld.idx.msk [tilespmem:v1+s5+$0x0], $0xffff  }
0x9e: {  	v2 =	vld.idx.msk [tilespmem:v2+s5+$0x0], $0xffff  }
0x9f: {  	v3 =	vld.idx.msk [tilespmem:v3+s5+$0x0], $0xffff  }
0xa0: {  	v4 =	vld.idx.msk [tilespmem:v4+s5+$0x0], $0xffff  }
0xa1: {  	v5 =	vld.idx.msk [tilespmem:v5+s5+$0x0], $0xffff  }
0xa2: {  	[tilespmem:s28+$0xFFFFFF90] =	vst v0;
	v7 =	vld.idx.msk [tilespmem:v7+s5+$0x0], $0xffff  }
0xa3: {  	v14 =	vld.idx.msk [tilespmem:v14+s5+$0x0], $0xffff;
	[tilespmem:s28+$0xFFFFFFA0] =	vst v1  }
0xa4: {  	[tilespmem:s28+$0xFFFFFFB0] =	vst v2;
	v8 =	vld.idx.msk [tilespmem:v8+s5+$0x0], $0xffff  }
0xa5: {  	[tilespmem:s28+$0xFFFFFFC0] =	vst v3;
	v0 =	vld.idx.msk [tilespmem:v9+s5+$0x0], $0xffff  }
.Ltmp1:
0xa6: {  	[tilespmem:s28+$0xFFFFFFD0] =	vst v4;
	v1 =	vld.idx.msk [tilespmem:v10+s5+$0x0], $0xffff;
	(pc) =	sbr.rel @p0 .LBB2_5-.Ltmp1, $4  }
0xa7: {  	[tilespmem:s28+$0xFFFFFFE0] =	vst v5;
	v2 =	vld.idx.msk [tilespmem:v11+s5+$0x0], $0xffff  }
0xa8: {  	[tilespmem:s28+$0xFFFFFFF0] =	vst v7;
	v3 =	vld.idx.msk [tilespmem:v12+s5+$0x0], $0xffff  }
0xa9: {  	[tilespmem:s28+$0xFFFFFF80] =	vst v14;
	v4 =	vld.idx.msk [tilespmem:v13+s5+$0x0], $0xffff  }
0xaa: {  	s30 =	sadd.s32 $0x100, s30;
	[tilespmem:s28+$0x0] =	vst v8;
	v5 =	vld.idx.msk [tilespmem:v6+s5+$0x0], $0xffff  }
0xab: {  	[tilespmem:s28+$0x10] =	vst v0  }
0xac: {  	[tilespmem:s28+$0x20] =	vst v1  }
0xad: {  	[tilespmem:s28+$0x30] =	vst v2  }
0xae: {  	[tilespmem:s28+$0x40] =	vst v3  }
0xaf: {  	[tilespmem:s28+$0x50] =	vst v4  }
0xb0: {  	[tilespmem:s28+$0x60] =	vst v5;
	s28 =	sadd.s32 s26, s7  }
0xb1: {  	[hbm4b:s28+s14] =	stream.strided.scatter [tilespmem:s18], [sflag:$0x2], $0x800, s15, s14, $0x38;
	[tilespmem:$0x1D700] =	vst v63  }
0xb2: {  	_ =	swait.ge [sflag:s19], $0x800  }
0xb3: {  	[sflag:s19] =	ssyncset.done $0x0  }
0xb4: {  	s28 =	simm.s32 $0x197F0;
	[sflag:s19] =	ssyncadd.s32 $0xFFFFF800  }
0xb5: {  	v0 =	vld [tilespmem:s28+$0x0]  }
0xb6: {  	v1 =	vld [tilespmem:s28+$0xFFFFFF20]  }
0xb7: {  	v2 =	vld [tilespmem:s28+$0xFFFFFF30]  }
0xb8: {  	v3 =	vld [tilespmem:s28+$0xFFFFFF40]  }
0xb9: {  	v4 =	vld [tilespmem:s28+$0xFFFFFF50]  }
0xba: {  	v5 =	vld [tilespmem:s28+$0xFFFFFF60]  }
0xbb: {  	v6 =	vld [tilespmem:s28+$0xFFFFFF70]  }
0xbc: {  	v7 =	vld [tilespmem:s28+$0xFFFFFF80]  }
0xbd: {  	v8 =	vld [tilespmem:s28+$0xFFFFFF90]  }
0xbe: {  	v9 =	vld [tilespmem:s28+$0xFFFFFFA0]  }
0xbf: {  	v10 =	vld [tilespmem:s28+$0xFFFFFFB0]  }
0xc0: {  	v11 =	vld [tilespmem:s28+$0xFFFFFFC0]  }
0xc1: {  	v12 =	vld [tilespmem:s28+$0xFFFFFFD0]  }
0xc2: {  	v13 =	vld [tilespmem:s28+$0xFFFFFFE0]  }
0xc3: {  	v14 =	vld [tilespmem:s28+$0xFFFFFFF0]  }
0xc4: {  	v15 =	vld [tilespmem:s28+$0xFFFFFF10]  }
0xc5: {  	v0 =	vld.idx.msk [tilespmem:v0+s5+$0x0], $0xffff  }
0xc6: {  	v1 =	vld.idx.msk [tilespmem:v1+s5+$0x0], $0xffff  }
0xc7: {  	v2 =	vld.idx.msk [tilespmem:v2+s5+$0x0], $0xffff  }
0xc8: {  	v3 =	vld.idx.msk [tilespmem:v3+s5+$0x0], $0xffff  }
0xc9: {  	v4 =	vld.idx.msk [tilespmem:v4+s5+$0x0], $0xffff  }
0xca: {  	s28 =	simm.s32 $0x1C780;
	v5 =	vld.idx.msk [tilespmem:v5+s5+$0x0], $0xffff  }
0xcb: {  	v6 =	vld.idx.msk [tilespmem:v6+s5+$0x0], $0xffff;
	[tilespmem:s28+$0x70] =	vst v0  }
0xcc: {  	v7 =	vld.idx.msk [tilespmem:v7+s5+$0x0], $0xffff;
	[tilespmem:s28+$0xFFFFFF90] =	vst v1  }
0xcd: {  	v15 =	vld.idx.msk [tilespmem:v15+s5+$0x0], $0xffff;
	[tilespmem:s28+$0xFFFFFFA0] =	vst v2  }
0xce: {  	v8 =	vld.idx.msk [tilespmem:v8+s5+$0x0], $0xffff;
	[tilespmem:s28+$0xFFFFFFB0] =	vst v3  }
0xcf: {  	[tilespmem:s28+$0xFFFFFFC0] =	vst v4;
	v0 =	vld.idx.msk [tilespmem:v9+s5+$0x0], $0xffff  }
0xd0: {  	[tilespmem:s28+$0xFFFFFFD0] =	vst v5;
	v1 =	vld.idx.msk [tilespmem:v10+s5+$0x0], $0xffff  }
0xd1: {  	[tilespmem:s28+$0xFFFFFFE0] =	vst v6;
	v2 =	vld.idx.msk [tilespmem:v11+s5+$0x0], $0xffff  }
0xd2: {  	[tilespmem:s28+$0xFFFFFFF0] =	vst v7;
	v3 =	vld.idx.msk [tilespmem:v12+s5+$0x0], $0xffff  }
0xd3: {  	[tilespmem:s28+$0xFFFFFF80] =	vst v15;
	v4 =	vld.idx.msk [tilespmem:v13+s5+$0x0], $0xffff  }
0xd4: {  	s29 =	simm.s32 $0x0;
	s30 =	simm.s32 $0x198F0;
	[tilespmem:s28+$0x0] =	vst v8;
	v5 =	vld.idx.msk [tilespmem:v14+s5+$0x0], $0xffff  }
.LBB2_7:
0xd5: {  	v6 =	vld [tilespmem:s30+$0x0];
	s29 =	sadd.s32 $0x100, s29;
	[tilespmem:s28+$0x10] =	vst v0  }
0xd6: {  	v0 =	vld [tilespmem:s30+$0xFFFFFF20];
	p0 =	slt.u32 s29, $0x700;
	[tilespmem:s28+$0x20] =	vst v1  }
0xd7: {  	v1 =	vld [tilespmem:s30+$0xFFFFFF30];
	[tilespmem:s28+$0x30] =	vst v2  }
0xd8: {  	v2 =	vld [tilespmem:s30+$0xFFFFFF40];
	[tilespmem:s28+$0x40] =	vst v3  }
0xd9: {  	v3 =	vld [tilespmem:s30+$0xFFFFFF50];
	[tilespmem:s28+$0x50] =	vst v4  }
0xda: {  	v4 =	vld [tilespmem:s30+$0xFFFFFF60];
	[tilespmem:s28+$0x60] =	vst v5  }
0xdb: {  	v5 =	vld [tilespmem:s30+$0xFFFFFF70]  }
0xdc: {  	v7 =	vld [tilespmem:s30+$0xFFFFFF80]  }
0xdd: {  	v6 =	vld.idx.msk [tilespmem:v6+s5+$0x0], $0xffff  }
0xde: {  	v8 =	vld [tilespmem:s30+$0xFFFFFF90]  }
0xdf: {  	v9 =	vld [tilespmem:s30+$0xFFFFFFA0]  }
0xe0: {  	v10 =	vld [tilespmem:s30+$0xFFFFFFB0]  }
0xe1: {  	v11 =	vld [tilespmem:s30+$0xFFFFFFC0]  }
0xe2: {  	s28 =	sadd.s32 $0x100, s28;
	v12 =	vld [tilespmem:s30+$0xFFFFFFD0]  }
0xe3: {  	v13 =	vld [tilespmem:s30+$0xFFFFFFE0];
	[tilespmem:s28+$0x70] =	vst v6  }
0xe4: {  	v6 =	vld [tilespmem:s30+$0xFFFFFFF0]  }
0xe5: {  	v14 =	vld [tilespmem:s30+$0xFFFFFF10]  }
0xe6: {  	v0 =	vld.idx.msk [tilespmem:v0+s5+$0x0], $0xffff  }
0xe7: {  	v1 =	vld.idx.msk [tilespmem:v1+s5+$0x0], $0xffff  }
0xe8: {  	v2 =	vld.idx.msk [tilespmem:v2+s5+$0x0], $0xffff  }
0xe9: {  	v3 =	vld.idx.msk [tilespmem:v3+s5+$0x0], $0xffff  }
0xea: {  	v4 =	vld.idx.msk [tilespmem:v4+s5+$0x0], $0xffff  }
0xeb: {  	v5 =	vld.idx.msk [tilespmem:v5+s5+$0x0], $0xffff  }
0xec: {  	[tilespmem:s28+$0xFFFFFF90] =	vst v0;
	v7 =	vld.idx.msk [tilespmem:v7+s5+$0x0], $0xffff  }
0xed: {  	v14 =	vld.idx.msk [tilespmem:v14+s5+$0x0], $0xffff;
	[tilespmem:s28+$0xFFFFFFA0] =	vst v1  }
0xee: {  	[tilespmem:s28+$0xFFFFFFB0] =	vst v2;
	v8 =	vld.idx.msk [tilespmem:v8+s5+$0x0], $0xffff  }
0xef: {  	[tilespmem:s28+$0xFFFFFFC0] =	vst v3;
	v0 =	vld.idx.msk [tilespmem:v9+s5+$0x0], $0xffff  }
.Ltmp2:
0xf0: {  	[tilespmem:s28+$0xFFFFFFD0] =	vst v4;
	v1 =	vld.idx.msk [tilespmem:v10+s5+$0x0], $0xffff;
	(pc) =	sbr.rel @p0 .LBB2_7-.Ltmp2, $4  }
0xf1: {  	[tilespmem:s28+$0xFFFFFFE0] =	vst v5;
	v2 =	vld.idx.msk [tilespmem:v11+s5+$0x0], $0xffff  }
0xf2: {  	[tilespmem:s28+$0xFFFFFFF0] =	vst v7;
	v3 =	vld.idx.msk [tilespmem:v12+s5+$0x0], $0xffff  }
0xf3: {  	[tilespmem:s28+$0xFFFFFF80] =	vst v14;
	v4 =	vld.idx.msk [tilespmem:v13+s5+$0x0], $0xffff  }
0xf4: {  	s30 =	sadd.s32 $0x100, s30;
	[tilespmem:s28+$0x0] =	vst v8;
	v5 =	vld.idx.msk [tilespmem:v6+s5+$0x0], $0xffff  }
0xf5: {  	[tilespmem:s28+$0x10] =	vst v0  }
0xf6: {  	[tilespmem:s28+$0x20] =	vst v1  }
0xf7: {  	[tilespmem:s28+$0x30] =	vst v2  }
0xf8: {  	[tilespmem:s28+$0x40] =	vst v3  }
0xf9: {  	[tilespmem:s28+$0x50] =	vst v4  }
0xfa: {  	[tilespmem:s28+$0x60] =	vst v5;
	s28 =	sadd.s32 s26, s8  }
0xfb: {  	[hbm4b:s28+s14] =	stream.strided.scatter [tilespmem:s17], [sflag:$0x1], $0x800, s15, s14, $0x38;
	[tilespmem:$0x1D700] =	vst v63  }
0xfc: {  	_ =	swait.ge [sflag:s20], $0x800  }
0xfd: {  	[sflag:s20] =	ssyncset.done $0x0  }
0xfe: {  	s28 =	simm.s32 $0x19FF0;
	[sflag:s20] =	ssyncadd.s32 $0xFFFFF800  }
0xff: {  	v0 =	vld [tilespmem:s28+$0x0]  }
0x100: {  	v1 =	vld [tilespmem:s28+$0xFFFFFF20]  }
0x101: {  	v2 =	vld [tilespmem:s28+$0xFFFFFF30]  }
0x102: {  	v3 =	vld [tilespmem:s28+$0xFFFFFF40]  }
0x103: {  	v4 =	vld [tilespmem:s28+$0xFFFFFF50]  }
0x104: {  	v5 =	vld [tilespmem:s28+$0xFFFFFF60]  }
0x105: {  	v6 =	vld [tilespmem:s28+$0xFFFFFF70]  }
0x106: {  	v7 =	vld [tilespmem:s28+$0xFFFFFF80]  }
0x107: {  	v8 =	vld [tilespmem:s28+$0xFFFFFF90]  }
0x108: {  	v9 =	vld [tilespmem:s28+$0xFFFFFFA0]  }
0x109: {  	v10 =	vld [tilespmem:s28+$0xFFFFFFB0]  }
0x10a: {  	v11 =	vld [tilespmem:s28+$0xFFFFFFC0]  }
0x10b: {  	v12 =	vld [tilespmem:s28+$0xFFFFFFD0]  }
0x10c: {  	v13 =	vld [tilespmem:s28+$0xFFFFFFE0]  }
0x10d: {  	v14 =	vld [tilespmem:s28+$0xFFFFFFF0]  }
0x10e: {  	v15 =	vld [tilespmem:s28+$0xFFFFFF10]  }
0x10f: {  	v0 =	vld.idx.msk [tilespmem:v0+s5+$0x0], $0xffff  }
0x110: {  	v1 =	vld.idx.msk [tilespmem:v1+s5+$0x0], $0xffff  }
0x111: {  	v2 =	vld.idx.msk [tilespmem:v2+s5+$0x0], $0xffff  }
0x112: {  	v3 =	vld.idx.msk [tilespmem:v3+s5+$0x0], $0xffff  }
0x113: {  	v4 =	vld.idx.msk [tilespmem:v4+s5+$0x0], $0xffff  }
0x114: {  	s28 =	simm.s32 $0x1CF80;
	v5 =	vld.idx.msk [tilespmem:v5+s5+$0x0], $0xffff  }
0x115: {  	v6 =	vld.idx.msk [tilespmem:v6+s5+$0x0], $0xffff;
	[tilespmem:s28+$0x70] =	vst v0  }
0x116: {  	v7 =	vld.idx.msk [tilespmem:v7+s5+$0x0], $0xffff;
	[tilespmem:s28+$0xFFFFFF90] =	vst v1  }
0x117: {  	v15 =	vld.idx.msk [tilespmem:v15+s5+$0x0], $0xffff;
	[tilespmem:s28+$0xFFFFFFA0] =	vst v2  }
0x118: {  	v8 =	vld.idx.msk [tilespmem:v8+s5+$0x0], $0xffff;
	[tilespmem:s28+$0xFFFFFFB0] =	vst v3  }
0x119: {  	[tilespmem:s28+$0xFFFFFFC0] =	vst v4;
	v0 =	vld.idx.msk [tilespmem:v9+s5+$0x0], $0xffff  }
0x11a: {  	[tilespmem:s28+$0xFFFFFFD0] =	vst v5;
	v1 =	vld.idx.msk [tilespmem:v10+s5+$0x0], $0xffff  }
0x11b: {  	[tilespmem:s28+$0xFFFFFFE0] =	vst v6;
	v2 =	vld.idx.msk [tilespmem:v11+s5+$0x0], $0xffff  }
0x11c: {  	[tilespmem:s28+$0xFFFFFFF0] =	vst v7;
	v3 =	vld.idx.msk [tilespmem:v12+s5+$0x0], $0xffff  }
0x11d: {  	[tilespmem:s28+$0xFFFFFF80] =	vst v15;
	v4 =	vld.idx.msk [tilespmem:v13+s5+$0x0], $0xffff  }
0x11e: {  	s29 =	simm.s32 $0x0;
	s30 =	simm.s32 $0x1A0F0;
	[tilespmem:s28+$0x0] =	vst v8;
	v5 =	vld.idx.msk [tilespmem:v14+s5+$0x0], $0xffff  }
.LBB2_9:
0x11f: {  	v6 =	vld [tilespmem:s30+$0x0];
	s29 =	sadd.s32 $0x100, s29;
	[tilespmem:s28+$0x10] =	vst v0  }
0x120: {  	v0 =	vld [tilespmem:s30+$0xFFFFFF20];
	p0 =	slt.u32 s29, $0x700;
	[tilespmem:s28+$0x20] =	vst v1  }
0x121: {  	v1 =	vld [tilespmem:s30+$0xFFFFFF30];
	[tilespmem:s28+$0x30] =	vst v2  }
0x122: {  	v2 =	vld [tilespmem:s30+$0xFFFFFF40];
	[tilespmem:s28+$0x40] =	vst v3  }
0x123: {  	v3 =	vld [tilespmem:s30+$0xFFFFFF50];
	[tilespmem:s28+$0x50] =	vst v4  }
0x124: {  	v4 =	vld [tilespmem:s30+$0xFFFFFF60];
	[tilespmem:s28+$0x60] =	vst v5  }
0x125: {  	v5 =	vld [tilespmem:s30+$0xFFFFFF70]  }
0x126: {  	v7 =	vld [tilespmem:s30+$0xFFFFFF80]  }
0x127: {  	v6 =	vld.idx.msk [tilespmem:v6+s5+$0x0], $0xffff  }
0x128: {  	v8 =	vld [tilespmem:s30+$0xFFFFFF90]  }
0x129: {  	v9 =	vld [tilespmem:s30+$0xFFFFFFA0]  }
0x12a: {  	v10 =	vld [tilespmem:s30+$0xFFFFFFB0]  }
0x12b: {  	v11 =	vld [tilespmem:s30+$0xFFFFFFC0]  }
0x12c: {  	s28 =	sadd.s32 $0x100, s28;
	v12 =	vld [tilespmem:s30+$0xFFFFFFD0]  }
0x12d: {  	v13 =	vld [tilespmem:s30+$0xFFFFFFE0];
	[tilespmem:s28+$0x70] =	vst v6  }
0x12e: {  	v6 =	vld [tilespmem:s30+$0xFFFFFFF0]  }
0x12f: {  	v14 =	vld [tilespmem:s30+$0xFFFFFF10]  }
0x130: {  	v0 =	vld.idx.msk [tilespmem:v0+s5+$0x0], $0xffff  }
0x131: {  	v1 =	vld.idx.msk [tilespmem:v1+s5+$0x0], $0xffff  }
0x132: {  	v2 =	vld.idx.msk [tilespmem:v2+s5+$0x0], $0xffff  }
0x133: {  	v3 =	vld.idx.msk [tilespmem:v3+s5+$0x0], $0xffff  }
0x134: {  	v4 =	vld.idx.msk [tilespmem:v4+s5+$0x0], $0xffff  }
0x135: {  	v5 =	vld.idx.msk [tilespmem:v5+s5+$0x0], $0xffff  }
0x136: {  	[tilespmem:s28+$0xFFFFFF90] =	vst v0;
	v7 =	vld.idx.msk [tilespmem:v7+s5+$0x0], $0xffff  }
0x137: {  	v14 =	vld.idx.msk [tilespmem:v14+s5+$0x0], $0xffff;
	[tilespmem:s28+$0xFFFFFFA0] =	vst v1  }
0x138: {  	[tilespmem:s28+$0xFFFFFFB0] =	vst v2;
	v8 =	vld.idx.msk [tilespmem:v8+s5+$0x0], $0xffff  }
0x139: {  	[tilespmem:s28+$0xFFFFFFC0] =	vst v3;
	v0 =	vld.idx.msk [tilespmem:v9+s5+$0x0], $0xffff  }
.Ltmp3:
0x13a: {  	[tilespmem:s28+$0xFFFFFFD0] =	vst v4;
	v1 =	vld.idx.msk [tilespmem:v10+s5+$0x0], $0xffff;
	(pc) =	sbr.rel @p0 .LBB2_9-.Ltmp3, $4  }
0x13b: {  	[tilespmem:s28+$0xFFFFFFE0] =	vst v5;
	v2 =	vld.idx.msk [tilespmem:v11+s5+$0x0], $0xffff  }
0x13c: {  	[tilespmem:s28+$0xFFFFFFF0] =	vst v7;
	v3 =	vld.idx.msk [tilespmem:v12+s5+$0x0], $0xffff  }
0x13d: {  	[tilespmem:s28+$0xFFFFFF80] =	vst v14;
	v4 =	vld.idx.msk [tilespmem:v13+s5+$0x0], $0xffff  }
0x13e: {  	s30 =	sadd.s32 $0x100, s30;
	[tilespmem:s28+$0x0] =	vst v8;
	v5 =	vld.idx.msk [tilespmem:v6+s5+$0x0], $0xffff  }
0x13f: {  	[tilespmem:s28+$0x10] =	vst v0  }
0x140: {  	[tilespmem:s28+$0x20] =	vst v1  }
0x141: {  	[tilespmem:s28+$0x30] =	vst v2  }
0x142: {  	[tilespmem:s28+$0x40] =	vst v3  }
0x143: {  	[tilespmem:s28+$0x50] =	vst v4  }
0x144: {  	[tilespmem:s28+$0x60] =	vst v5;
	s28 =	sadd.s32 s26, s9  }
0x145: {  	[hbm4b:s28+s14] =	stream.strided.scatter [tilespmem:s18], [sflag:$0x2], $0x800, s15, s14, $0x38;
	[tilespmem:$0x1D700] =	vst v63  }
0x146: {  	_ =	swait.ge [sflag:s19], $0x800  }
0x147: {  	[sflag:s19] =	ssyncset.done $0x0  }
0x148: {  	s28 =	simm.s32 $0x1A7F0;
	[sflag:s19] =	ssyncadd.s32 $0xFFFFF800  }
0x149: {  	v0 =	vld [tilespmem:s28+$0x0]  }
0x14a: {  	v1 =	vld [tilespmem:s28+$0xFFFFFF20]  }
0x14b: {  	v2 =	vld [tilespmem:s28+$0xFFFFFF30]  }
0x14c: {  	v3 =	vld [tilespmem:s28+$0xFFFFFF40]  }
0x14d: {  	v4 =	vld [tilespmem:s28+$0xFFFFFF50]  }
0x14e: {  	v5 =	vld [tilespmem:s28+$0xFFFFFF60]  }
0x14f: {  	v6 =	vld [tilespmem:s28+$0xFFFFFF70]  }
0x150: {  	v7 =	vld [tilespmem:s28+$0xFFFFFF80]  }
0x151: {  	v8 =	vld [tilespmem:s28+$0xFFFFFF90]  }
0x152: {  	v9 =	vld [tilespmem:s28+$0xFFFFFFA0]  }
0x153: {  	v10 =	vld [tilespmem:s28+$0xFFFFFFB0]  }
0x154: {  	v11 =	vld [tilespmem:s28+$0xFFFFFFC0]  }
0x155: {  	v12 =	vld [tilespmem:s28+$0xFFFFFFD0]  }
0x156: {  	v13 =	vld [tilespmem:s28+$0xFFFFFFE0]  }
0x157: {  	v14 =	vld [tilespmem:s28+$0xFFFFFFF0]  }
0x158: {  	v15 =	vld [tilespmem:s28+$0xFFFFFF10]  }
0x159: {  	v0 =	vld.idx.msk [tilespmem:v0+s5+$0x0], $0xffff  }
0x15a: {  	v1 =	vld.idx.msk [tilespmem:v1+s5+$0x0], $0xffff  }
0x15b: {  	v2 =	vld.idx.msk [tilespmem:v2+s5+$0x0], $0xffff  }
0x15c: {  	v3 =	vld.idx.msk [tilespmem:v3+s5+$0x0], $0xffff  }
0x15d: {  	v4 =	vld.idx.msk [tilespmem:v4+s5+$0x0], $0xffff  }
0x15e: {  	s28 =	simm.s32 $0x1C780;
	v5 =	vld.idx.msk [tilespmem:v5+s5+$0x0], $0xffff  }
0x15f: {  	v6 =	vld.idx.msk [tilespmem:v6+s5+$0x0], $0xffff;
	[tilespmem:s28+$0x70] =	vst v0  }
0x160: {  	v7 =	vld.idx.msk [tilespmem:v7+s5+$0x0], $0xffff;
	[tilespmem:s28+$0xFFFFFF90] =	vst v1  }
0x161: {  	v15 =	vld.idx.msk [tilespmem:v15+s5+$0x0], $0xffff;
	[tilespmem:s28+$0xFFFFFFA0] =	vst v2  }
0x162: {  	v8 =	vld.idx.msk [tilespmem:v8+s5+$0x0], $0xffff;
	[tilespmem:s28+$0xFFFFFFB0] =	vst v3  }
0x163: {  	[tilespmem:s28+$0xFFFFFFC0] =	vst v4;
	v0 =	vld.idx.msk [tilespmem:v9+s5+$0x0], $0xffff  }
0x164: {  	[tilespmem:s28+$0xFFFFFFD0] =	vst v5;
	v1 =	vld.idx.msk [tilespmem:v10+s5+$0x0], $0xffff  }
0x165: {  	[tilespmem:s28+$0xFFFFFFE0] =	vst v6;
	v2 =	vld.idx.msk [tilespmem:v11+s5+$0x0], $0xffff  }
0x166: {  	[tilespmem:s28+$0xFFFFFFF0] =	vst v7;
	v3 =	vld.idx.msk [tilespmem:v12+s5+$0x0], $0xffff  }
0x167: {  	[tilespmem:s28+$0xFFFFFF80] =	vst v15;
	v4 =	vld.idx.msk [tilespmem:v13+s5+$0x0], $0xffff  }
0x168: {  	s29 =	simm.s32 $0x0;
	s30 =	simm.s32 $0x1A8F0;
	[tilespmem:s28+$0x0] =	vst v8;
	v5 =	vld.idx.msk [tilespmem:v14+s5+$0x0], $0xffff  }
.LBB2_11:
0x169: {  	v6 =	vld [tilespmem:s30+$0x0];
	s29 =	sadd.s32 $0x100, s29;
	[tilespmem:s28+$0x10] =	vst v0  }
0x16a: {  	v0 =	vld [tilespmem:s30+$0xFFFFFF20];
	p0 =	slt.u32 s29, $0x700;
	[tilespmem:s28+$0x20] =	vst v1  }
0x16b: {  	v1 =	vld [tilespmem:s30+$0xFFFFFF30];
	[tilespmem:s28+$0x30] =	vst v2  }
0x16c: {  	v2 =	vld [tilespmem:s30+$0xFFFFFF40];
	[tilespmem:s28+$0x40] =	vst v3  }
0x16d: {  	v3 =	vld [tilespmem:s30+$0xFFFFFF50];
	[tilespmem:s28+$0x50] =	vst v4  }
0x16e: {  	v4 =	vld [tilespmem:s30+$0xFFFFFF60];
	[tilespmem:s28+$0x60] =	vst v5  }
0x16f: {  	v5 =	vld [tilespmem:s30+$0xFFFFFF70]  }
0x170: {  	v7 =	vld [tilespmem:s30+$0xFFFFFF80]  }
0x171: {  	v6 =	vld.idx.msk [tilespmem:v6+s5+$0x0], $0xffff  }
0x172: {  	v8 =	vld [tilespmem:s30+$0xFFFFFF90]  }
0x173: {  	v9 =	vld [tilespmem:s30+$0xFFFFFFA0]  }
0x174: {  	v10 =	vld [tilespmem:s30+$0xFFFFFFB0]  }
0x175: {  	v11 =	vld [tilespmem:s30+$0xFFFFFFC0]  }
0x176: {  	s28 =	sadd.s32 $0x100, s28;
	v12 =	vld [tilespmem:s30+$0xFFFFFFD0]  }
0x177: {  	v13 =	vld [tilespmem:s30+$0xFFFFFFE0];
	[tilespmem:s28+$0x70] =	vst v6  }
0x178: {  	v6 =	vld [tilespmem:s30+$0xFFFFFFF0]  }
0x179: {  	v14 =	vld [tilespmem:s30+$0xFFFFFF10]  }
0x17a: {  	v0 =	vld.idx.msk [tilespmem:v0+s5+$0x0], $0xffff  }
0x17b: {  	v1 =	vld.idx.msk [tilespmem:v1+s5+$0x0], $0xffff  }
0x17c: {  	v2 =	vld.idx.msk [tilespmem:v2+s5+$0x0], $0xffff  }
0x17d: {  	v3 =	vld.idx.msk [tilespmem:v3+s5+$0x0], $0xffff  }
0x17e: {  	v4 =	vld.idx.msk [tilespmem:v4+s5+$0x0], $0xffff  }
0x17f: {  	v5 =	vld.idx.msk [tilespmem:v5+s5+$0x0], $0xffff  }
0x180: {  	[tilespmem:s28+$0xFFFFFF90] =	vst v0;
	v7 =	vld.idx.msk [tilespmem:v7+s5+$0x0], $0xffff  }
0x181: {  	v14 =	vld.idx.msk [tilespmem:v14+s5+$0x0], $0xffff;
	[tilespmem:s28+$0xFFFFFFA0] =	vst v1  }
0x182: {  	[tilespmem:s28+$0xFFFFFFB0] =	vst v2;
	v8 =	vld.idx.msk [tilespmem:v8+s5+$0x0], $0xffff  }
0x183: {  	[tilespmem:s28+$0xFFFFFFC0] =	vst v3;
	v0 =	vld.idx.msk [tilespmem:v9+s5+$0x0], $0xffff  }
.Ltmp4:
0x184: {  	[tilespmem:s28+$0xFFFFFFD0] =	vst v4;
	v1 =	vld.idx.msk [tilespmem:v10+s5+$0x0], $0xffff;
	(pc) =	sbr.rel @p0 .LBB2_11-.Ltmp4, $4  }
0x185: {  	[tilespmem:s28+$0xFFFFFFE0] =	vst v5;
	v2 =	vld.idx.msk [tilespmem:v11+s5+$0x0], $0xffff  }
0x186: {  	[tilespmem:s28+$0xFFFFFFF0] =	vst v7;
	v3 =	vld.idx.msk [tilespmem:v12+s5+$0x0], $0xffff  }
0x187: {  	[tilespmem:s28+$0xFFFFFF80] =	vst v14;
	v4 =	vld.idx.msk [tilespmem:v13+s5+$0x0], $0xffff  }
0x188: {  	s30 =	sadd.s32 $0x100, s30;
	[tilespmem:s28+$0x0] =	vst v8;
	v5 =	vld.idx.msk [tilespmem:v6+s5+$0x0], $0xffff  }
0x189: {  	[tilespmem:s28+$0x10] =	vst v0  }
0x18a: {  	[tilespmem:s28+$0x20] =	vst v1  }
0x18b: {  	[tilespmem:s28+$0x30] =	vst v2  }
0x18c: {  	[tilespmem:s28+$0x40] =	vst v3  }
0x18d: {  	[tilespmem:s28+$0x50] =	vst v4  }
0x18e: {  	[tilespmem:s28+$0x60] =	vst v5;
	s28 =	sadd.s32 s26, s10  }
0x18f: {  	[hbm4b:s28+s14] =	stream.strided.scatter [tilespmem:s17], [sflag:$0x1], $0x800, s15, s14, $0x38;
	[tilespmem:$0x1D700] =	vst v63  }
0x190: {  	_ =	swait.ge [sflag:s20], $0x800  }
0x191: {  	[sflag:s20] =	ssyncset.done $0x0  }
0x192: {  	s28 =	simm.s32 $0x1AFF0;
	[sflag:s20] =	ssyncadd.s32 $0xFFFFF800  }
0x193: {  	v0 =	vld [tilespmem:s28+$0x0]  }
0x194: {  	v1 =	vld [tilespmem:s28+$0xFFFFFF20]  }
0x195: {  	v2 =	vld [tilespmem:s28+$0xFFFFFF30]  }
0x196: {  	v3 =	vld [tilespmem:s28+$0xFFFFFF40]  }
0x197: {  	v4 =	vld [tilespmem:s28+$0xFFFFFF50]  }
0x198: {  	v5 =	vld [tilespmem:s28+$0xFFFFFF60]  }
0x199: {  	v6 =	vld [tilespmem:s28+$0xFFFFFF70]  }
0x19a: {  	v7 =	vld [tilespmem:s28+$0xFFFFFF80]  }
0x19b: {  	v8 =	vld [tilespmem:s28+$0xFFFFFF90]  }
0x19c: {  	v9 =	vld [tilespmem:s28+$0xFFFFFFA0]  }
0x19d: {  	v10 =	vld [tilespmem:s28+$0xFFFFFFB0]  }
0x19e: {  	v11 =	vld [tilespmem:s28+$0xFFFFFFC0]  }
0x19f: {  	v12 =	vld [tilespmem:s28+$0xFFFFFFD0]  }
0x1a0: {  	v13 =	vld [tilespmem:s28+$0xFFFFFFE0]  }
0x1a1: {  	v14 =	vld [tilespmem:s28+$0xFFFFFFF0]  }
0x1a2: {  	v15 =	vld [tilespmem:s28+$0xFFFFFF10]  }
0x1a3: {  	v0 =	vld.idx.msk [tilespmem:v0+s5+$0x0], $0xffff  }
0x1a4: {  	v1 =	vld.idx.msk [tilespmem:v1+s5+$0x0], $0xffff  }
0x1a5: {  	v2 =	vld.idx.msk [tilespmem:v2+s5+$0x0], $0xffff  }
0x1a6: {  	v3 =	vld.idx.msk [tilespmem:v3+s5+$0x0], $0xffff  }
0x1a7: {  	v4 =	vld.idx.msk [tilespmem:v4+s5+$0x0], $0xffff  }
0x1a8: {  	s28 =	simm.s32 $0x1CF80;
	v5 =	vld.idx.msk [tilespmem:v5+s5+$0x0], $0xffff  }
0x1a9: {  	v6 =	vld.idx.msk [tilespmem:v6+s5+$0x0], $0xffff;
	[tilespmem:s28+$0x70] =	vst v0  }
0x1aa: {  	v7 =	vld.idx.msk [tilespmem:v7+s5+$0x0], $0xffff;
	[tilespmem:s28+$0xFFFFFF90] =	vst v1  }
0x1ab: {  	v15 =	vld.idx.msk [tilespmem:v15+s5+$0x0], $0xffff;
	[tilespmem:s28+$0xFFFFFFA0] =	vst v2  }
0x1ac: {  	v8 =	vld.idx.msk [tilespmem:v8+s5+$0x0], $0xffff;
	[tilespmem:s28+$0xFFFFFFB0] =	vst v3  }
0x1ad: {  	[tilespmem:s28+$0xFFFFFFC0] =	vst v4;
	v0 =	vld.idx.msk [tilespmem:v9+s5+$0x0], $0xffff  }
0x1ae: {  	[tilespmem:s28+$0xFFFFFFD0] =	vst v5;
	v1 =	vld.idx.msk [tilespmem:v10+s5+$0x0], $0xffff  }
0x1af: {  	[tilespmem:s28+$0xFFFFFFE0] =	vst v6;
	v2 =	vld.idx.msk [tilespmem:v11+s5+$0x0], $0xffff  }
0x1b0: {  	[tilespmem:s28+$0xFFFFFFF0] =	vst v7;
	v3 =	vld.idx.msk [tilespmem:v12+s5+$0x0], $0xffff  }
0x1b1: {  	[tilespmem:s28+$0xFFFFFF80] =	vst v15;
	v4 =	vld.idx.msk [tilespmem:v13+s5+$0x0], $0xffff  }
0x1b2: {  	s29 =	simm.s32 $0x0;
	s30 =	simm.s32 $0x1B0F0;
	[tilespmem:s28+$0x0] =	vst v8;
	v5 =	vld.idx.msk [tilespmem:v14+s5+$0x0], $0xffff  }
.LBB2_13:
0x1b3: {  	v6 =	vld [tilespmem:s30+$0x0];
	s29 =	sadd.s32 $0x100, s29;
	[tilespmem:s28+$0x10] =	vst v0  }
0x1b4: {  	v0 =	vld [tilespmem:s30+$0xFFFFFF20];
	p0 =	slt.u32 s29, $0x700;
	[tilespmem:s28+$0x20] =	vst v1  }
0x1b5: {  	v1 =	vld [tilespmem:s30+$0xFFFFFF30];
	[tilespmem:s28+$0x30] =	vst v2  }
0x1b6: {  	v2 =	vld [tilespmem:s30+$0xFFFFFF40];
	[tilespmem:s28+$0x40] =	vst v3  }
0x1b7: {  	v3 =	vld [tilespmem:s30+$0xFFFFFF50];
	[tilespmem:s28+$0x50] =	vst v4  }
0x1b8: {  	v4 =	vld [tilespmem:s30+$0xFFFFFF60];
	[tilespmem:s28+$0x60] =	vst v5  }
0x1b9: {  	v5 =	vld [tilespmem:s30+$0xFFFFFF70]  }
0x1ba: {  	v7 =	vld [tilespmem:s30+$0xFFFFFF80]  }
0x1bb: {  	v6 =	vld.idx.msk [tilespmem:v6+s5+$0x0], $0xffff  }
0x1bc: {  	v8 =	vld [tilespmem:s30+$0xFFFFFF90]  }
0x1bd: {  	v9 =	vld [tilespmem:s30+$0xFFFFFFA0]  }
0x1be: {  	v10 =	vld [tilespmem:s30+$0xFFFFFFB0]  }
0x1bf: {  	v11 =	vld [tilespmem:s30+$0xFFFFFFC0]  }
0x1c0: {  	s28 =	sadd.s32 $0x100, s28;
	v12 =	vld [tilespmem:s30+$0xFFFFFFD0]  }
0x1c1: {  	v13 =	vld [tilespmem:s30+$0xFFFFFFE0];
	[tilespmem:s28+$0x70] =	vst v6  }
0x1c2: {  	v6 =	vld [tilespmem:s30+$0xFFFFFFF0]  }
0x1c3: {  	v14 =	vld [tilespmem:s30+$0xFFFFFF10]  }
0x1c4: {  	v0 =	vld.idx.msk [tilespmem:v0+s5+$0x0], $0xffff  }
0x1c5: {  	v1 =	vld.idx.msk [tilespmem:v1+s5+$0x0], $0xffff  }
0x1c6: {  	v2 =	vld.idx.msk [tilespmem:v2+s5+$0x0], $0xffff  }
0x1c7: {  	v3 =	vld.idx.msk [tilespmem:v3+s5+$0x0], $0xffff  }
0x1c8: {  	v4 =	vld.idx.msk [tilespmem:v4+s5+$0x0], $0xffff  }
0x1c9: {  	v5 =	vld.idx.msk [tilespmem:v5+s5+$0x0], $0xffff  }
0x1ca: {  	[tilespmem:s28+$0xFFFFFF90] =	vst v0;
	v7 =	vld.idx.msk [tilespmem:v7+s5+$0x0], $0xffff  }
0x1cb: {  	v14 =	vld.idx.msk [tilespmem:v14+s5+$0x0], $0xffff;
	[tilespmem:s28+$0xFFFFFFA0] =	vst v1  }
0x1cc: {  	[tilespmem:s28+$0xFFFFFFB0] =	vst v2;
	v8 =	vld.idx.msk [tilespmem:v8+s5+$0x0], $0xffff  }
0x1cd: {  	[tilespmem:s28+$0xFFFFFFC0] =	vst v3;
	v0 =	vld.idx.msk [tilespmem:v9+s5+$0x0], $0xffff  }
.Ltmp5:
0x1ce: {  	[tilespmem:s28+$0xFFFFFFD0] =	vst v4;
	v1 =	vld.idx.msk [tilespmem:v10+s5+$0x0], $0xffff;
	(pc) =	sbr.rel @p0 .LBB2_13-.Ltmp5, $4  }
0x1cf: {  	[tilespmem:s28+$0xFFFFFFE0] =	vst v5;
	v2 =	vld.idx.msk [tilespmem:v11+s5+$0x0], $0xffff  }
0x1d0: {  	[tilespmem:s28+$0xFFFFFFF0] =	vst v7;
	v3 =	vld.idx.msk [tilespmem:v12+s5+$0x0], $0xffff  }
0x1d1: {  	[tilespmem:s28+$0xFFFFFF80] =	vst v14;
	v4 =	vld.idx.msk [tilespmem:v13+s5+$0x0], $0xffff  }
0x1d2: {  	s30 =	sadd.s32 $0x100, s30;
	[tilespmem:s28+$0x0] =	vst v8;
	v5 =	vld.idx.msk [tilespmem:v6+s5+$0x0], $0xffff  }
0x1d3: {  	[tilespmem:s28+$0x10] =	vst v0  }
0x1d4: {  	[tilespmem:s28+$0x20] =	vst v1  }
0x1d5: {  	[tilespmem:s28+$0x30] =	vst v2  }
0x1d6: {  	[tilespmem:s28+$0x40] =	vst v3  }
0x1d7: {  	[tilespmem:s28+$0x50] =	vst v4  }
0x1d8: {  	[tilespmem:s28+$0x60] =	vst v5;
	s28 =	sadd.s32 s26, s11  }
0x1d9: {  	[hbm4b:s28+s14] =	stream.strided.scatter [tilespmem:s18], [sflag:$0x2], $0x800, s15, s14, $0x38;
	[tilespmem:$0x1D700] =	vst v63  }
0x1da: {  	_ =	swait.ge [sflag:s19], $0x800  }
0x1db: {  	[sflag:s19] =	ssyncset.done $0x0  }
0x1dc: {  	s28 =	simm.s32 $0x1B7F0;
	[sflag:s19] =	ssyncadd.s32 $0xFFFFF800  }
0x1dd: {  	v0 =	vld [tilespmem:s28+$0x0]  }
0x1de: {  	v1 =	vld [tilespmem:s28+$0xFFFFFF20]  }
0x1df: {  	v2 =	vld [tilespmem:s28+$0xFFFFFF30]  }
0x1e0: {  	v3 =	vld [tilespmem:s28+$0xFFFFFF40]  }
0x1e1: {  	v4 =	vld [tilespmem:s28+$0xFFFFFF50]  }
0x1e2: {  	v5 =	vld [tilespmem:s28+$0xFFFFFF60]  }
0x1e3: {  	v6 =	vld [tilespmem:s28+$0xFFFFFF70]  }
0x1e4: {  	v7 =	vld [tilespmem:s28+$0xFFFFFF80]  }
0x1e5: {  	v8 =	vld [tilespmem:s28+$0xFFFFFF90]  }
0x1e6: {  	v9 =	vld [tilespmem:s28+$0xFFFFFFA0]  }
0x1e7: {  	v10 =	vld [tilespmem:s28+$0xFFFFFFB0]  }
0x1e8: {  	v11 =	vld [tilespmem:s28+$0xFFFFFFC0]  }
0x1e9: {  	v12 =	vld [tilespmem:s28+$0xFFFFFFD0]  }
0x1ea: {  	v13 =	vld [tilespmem:s28+$0xFFFFFFE0]  }
0x1eb: {  	v14 =	vld [tilespmem:s28+$0xFFFFFFF0]  }
0x1ec: {  	v15 =	vld [tilespmem:s28+$0xFFFFFF10]  }
0x1ed: {  	v0 =	vld.idx.msk [tilespmem:v0+s5+$0x0], $0xffff  }
0x1ee: {  	v1 =	vld.idx.msk [tilespmem:v1+s5+$0x0], $0xffff  }
0x1ef: {  	v2 =	vld.idx.msk [tilespmem:v2+s5+$0x0], $0xffff  }
0x1f0: {  	v3 =	vld.idx.msk [tilespmem:v3+s5+$0x0], $0xffff  }
0x1f1: {  	v4 =	vld.idx.msk [tilespmem:v4+s5+$0x0], $0xffff  }
0x1f2: {  	s28 =	simm.s32 $0x1C780;
	v5 =	vld.idx.msk [tilespmem:v5+s5+$0x0], $0xffff  }
0x1f3: {  	v6 =	vld.idx.msk [tilespmem:v6+s5+$0x0], $0xffff;
	[tilespmem:s28+$0x70] =	vst v0  }
0x1f4: {  	v7 =	vld.idx.msk [tilespmem:v7+s5+$0x0], $0xffff;
	[tilespmem:s28+$0xFFFFFF90] =	vst v1  }
0x1f5: {  	v15 =	vld.idx.msk [tilespmem:v15+s5+$0x0], $0xffff;
	[tilespmem:s28+$0xFFFFFFA0] =	vst v2  }
0x1f6: {  	v8 =	vld.idx.msk [tilespmem:v8+s5+$0x0], $0xffff;
	[tilespmem:s28+$0xFFFFFFB0] =	vst v3  }
0x1f7: {  	[tilespmem:s28+$0xFFFFFFC0] =	vst v4;
	v0 =	vld.idx.msk [tilespmem:v9+s5+$0x0], $0xffff  }
0x1f8: {  	[tilespmem:s28+$0xFFFFFFD0] =	vst v5;
	v1 =	vld.idx.msk [tilespmem:v10+s5+$0x0], $0xffff  }
0x1f9: {  	[tilespmem:s28+$0xFFFFFFE0] =	vst v6;
	v2 =	vld.idx.msk [tilespmem:v11+s5+$0x0], $0xffff  }
0x1fa: {  	[tilespmem:s28+$0xFFFFFFF0] =	vst v7;
	v3 =	vld.idx.msk [tilespmem:v12+s5+$0x0], $0xffff  }
0x1fb: {  	[tilespmem:s28+$0xFFFFFF80] =	vst v15;
	v4 =	vld.idx.msk [tilespmem:v13+s5+$0x0], $0xffff  }
0x1fc: {  	s29 =	simm.s32 $0x0;
	s30 =	simm.s32 $0x1B8F0;
	[tilespmem:s28+$0x0] =	vst v8;
	v5 =	vld.idx.msk [tilespmem:v14+s5+$0x0], $0xffff  }
.LBB2_15:
0x1fd: {  	v6 =	vld [tilespmem:s30+$0x0];
	s29 =	sadd.s32 $0x100, s29;
	[tilespmem:s28+$0x10] =	vst v0  }
0x1fe: {  	v0 =	vld [tilespmem:s30+$0xFFFFFF20];
	p0 =	slt.u32 s29, $0x700;
	[tilespmem:s28+$0x20] =	vst v1  }
0x1ff: {  	v1 =	vld [tilespmem:s30+$0xFFFFFF30];
	[tilespmem:s28+$0x30] =	vst v2  }
0x200: {  	v2 =	vld [tilespmem:s30+$0xFFFFFF40];
	[tilespmem:s28+$0x40] =	vst v3  }
0x201: {  	v3 =	vld [tilespmem:s30+$0xFFFFFF50];
	[tilespmem:s28+$0x50] =	vst v4  }
0x202: {  	v4 =	vld [tilespmem:s30+$0xFFFFFF60];
	[tilespmem:s28+$0x60] =	vst v5  }
0x203: {  	v5 =	vld [tilespmem:s30+$0xFFFFFF70]  }
0x204: {  	v7 =	vld [tilespmem:s30+$0xFFFFFF80]  }
0x205: {  	v6 =	vld.idx.msk [tilespmem:v6+s5+$0x0], $0xffff  }
0x206: {  	v8 =	vld [tilespmem:s30+$0xFFFFFF90]  }
0x207: {  	v9 =	vld [tilespmem:s30+$0xFFFFFFA0]  }
0x208: {  	v10 =	vld [tilespmem:s30+$0xFFFFFFB0]  }
0x209: {  	v11 =	vld [tilespmem:s30+$0xFFFFFFC0]  }
0x20a: {  	s28 =	sadd.s32 $0x100, s28;
	v12 =	vld [tilespmem:s30+$0xFFFFFFD0]  }
0x20b: {  	v13 =	vld [tilespmem:s30+$0xFFFFFFE0];
	[tilespmem:s28+$0x70] =	vst v6  }
0x20c: {  	v6 =	vld [tilespmem:s30+$0xFFFFFFF0]  }
0x20d: {  	v14 =	vld [tilespmem:s30+$0xFFFFFF10]  }
0x20e: {  	v0 =	vld.idx.msk [tilespmem:v0+s5+$0x0], $0xffff  }
0x20f: {  	v1 =	vld.idx.msk [tilespmem:v1+s5+$0x0], $0xffff  }
0x210: {  	v2 =	vld.idx.msk [tilespmem:v2+s5+$0x0], $0xffff  }
0x211: {  	v3 =	vld.idx.msk [tilespmem:v3+s5+$0x0], $0xffff  }
0x212: {  	v4 =	vld.idx.msk [tilespmem:v4+s5+$0x0], $0xffff  }
0x213: {  	v5 =	vld.idx.msk [tilespmem:v5+s5+$0x0], $0xffff  }
0x214: {  	[tilespmem:s28+$0xFFFFFF90] =	vst v0;
	v7 =	vld.idx.msk [tilespmem:v7+s5+$0x0], $0xffff  }
0x215: {  	v14 =	vld.idx.msk [tilespmem:v14+s5+$0x0], $0xffff;
	[tilespmem:s28+$0xFFFFFFA0] =	vst v1  }
0x216: {  	[tilespmem:s28+$0xFFFFFFB0] =	vst v2;
	v8 =	vld.idx.msk [tilespmem:v8+s5+$0x0], $0xffff  }
0x217: {  	[tilespmem:s28+$0xFFFFFFC0] =	vst v3;
	v0 =	vld.idx.msk [tilespmem:v9+s5+$0x0], $0xffff  }
.Ltmp6:
0x218: {  	[tilespmem:s28+$0xFFFFFFD0] =	vst v4;
	v1 =	vld.idx.msk [tilespmem:v10+s5+$0x0], $0xffff;
	(pc) =	sbr.rel @p0 .LBB2_15-.Ltmp6, $4  }
0x219: {  	[tilespmem:s28+$0xFFFFFFE0] =	vst v5;
	v2 =	vld.idx.msk [tilespmem:v11+s5+$0x0], $0xffff  }
0x21a: {  	[tilespmem:s28+$0xFFFFFFF0] =	vst v7;
	v3 =	vld.idx.msk [tilespmem:v12+s5+$0x0], $0xffff  }
0x21b: {  	[tilespmem:s28+$0xFFFFFF80] =	vst v14;
	v4 =	vld.idx.msk [tilespmem:v13+s5+$0x0], $0xffff  }
0x21c: {  	s30 =	sadd.s32 $0x100, s30;
	[tilespmem:s28+$0x0] =	vst v8;
	v5 =	vld.idx.msk [tilespmem:v6+s5+$0x0], $0xffff  }
0x21d: {  	[tilespmem:s28+$0x10] =	vst v0  }
0x21e: {  	[tilespmem:s28+$0x20] =	vst v1  }
0x21f: {  	[tilespmem:s28+$0x30] =	vst v2  }
0x220: {  	[tilespmem:s28+$0x40] =	vst v3  }
0x221: {  	[tilespmem:s28+$0x50] =	vst v4  }
0x222: {  	s26 =	sadd.s32 s26, s12;
	[tilespmem:s28+$0x60] =	vst v5  }
0x223: {  	[hbm4b:s26+s14] =	stream.strided.scatter [tilespmem:s17], [sflag:$0x1], $0x800, s15, s14, $0x38;
	[tilespmem:$0x1D700] =	vst v63  }
0x224: {  	_ =	swait.ge [sflag:s20], $0x800  }
0x225: {  	[sflag:s20] =	ssyncset.done $0x0  }
0x226: {  	s31 =	simm.s32 $0x1BFF0;
	[sflag:s20] =	ssyncadd.s32 $0xFFFFF800  }
0x227: {  	v0 =	vld [tilespmem:s31+$0x0]  }
0x228: {  	v1 =	vld [tilespmem:s31+$0xFFFFFF20]  }
0x229: {  	v2 =	vld [tilespmem:s31+$0xFFFFFF30]  }
0x22a: {  	v3 =	vld [tilespmem:s31+$0xFFFFFF40]  }
0x22b: {  	v4 =	vld [tilespmem:s31+$0xFFFFFF50]  }
0x22c: {  	v5 =	vld [tilespmem:s31+$0xFFFFFF60]  }
0x22d: {  	v6 =	vld [tilespmem:s31+$0xFFFFFF70]  }
0x22e: {  	v7 =	vld [tilespmem:s31+$0xFFFFFF80]  }
0x22f: {  	v8 =	vld [tilespmem:s31+$0xFFFFFF90]  }
0x230: {  	v9 =	vld [tilespmem:s31+$0xFFFFFFA0]  }
0x231: {  	v10 =	vld [tilespmem:s31+$0xFFFFFFB0]  }
0x232: {  	v11 =	vld [tilespmem:s31+$0xFFFFFFC0]  }
0x233: {  	v12 =	vld [tilespmem:s31+$0xFFFFFFD0]  }
0x234: {  	v13 =	vld [tilespmem:s31+$0xFFFFFFE0]  }
0x235: {  	v14 =	vld [tilespmem:s31+$0xFFFFFFF0]  }
0x236: {  	v15 =	vld [tilespmem:s31+$0xFFFFFF10]  }
0x237: {  	v0 =	vld.idx.msk [tilespmem:v0+s5+$0x0], $0xffff  }
0x238: {  	v1 =	vld.idx.msk [tilespmem:v1+s5+$0x0], $0xffff  }
0x239: {  	v2 =	vld.idx.msk [tilespmem:v2+s5+$0x0], $0xffff  }
0x23a: {  	v3 =	vld.idx.msk [tilespmem:v3+s5+$0x0], $0xffff  }
0x23b: {  	v4 =	vld.idx.msk [tilespmem:v4+s5+$0x0], $0xffff  }
0x23c: {  	s26 =	simm.s32 $0x1CF80;
	v5 =	vld.idx.msk [tilespmem:v5+s5+$0x0], $0xffff  }
0x23d: {  	v6 =	vld.idx.msk [tilespmem:v6+s5+$0x0], $0xffff;
	[tilespmem:s26+$0x70] =	vst v0  }
0x23e: {  	v7 =	vld.idx.msk [tilespmem:v7+s5+$0x0], $0xffff;
	[tilespmem:s26+$0xFFFFFF90] =	vst v1  }
0x23f: {  	v15 =	vld.idx.msk [tilespmem:v15+s5+$0x0], $0xffff;
	[tilespmem:s26+$0xFFFFFFA0] =	vst v2  }
0x240: {  	v8 =	vld.idx.msk [tilespmem:v8+s5+$0x0], $0xffff;
	[tilespmem:s26+$0xFFFFFFB0] =	vst v3  }
0x241: {  	[tilespmem:s26+$0xFFFFFFC0] =	vst v4;
	v0 =	vld.idx.msk [tilespmem:v9+s5+$0x0], $0xffff  }
0x242: {  	[tilespmem:s26+$0xFFFFFFD0] =	vst v5;
	v1 =	vld.idx.msk [tilespmem:v10+s5+$0x0], $0xffff  }
0x243: {  	[tilespmem:s26+$0xFFFFFFE0] =	vst v6;
	v2 =	vld.idx.msk [tilespmem:v11+s5+$0x0], $0xffff  }
0x244: {  	[tilespmem:s26+$0xFFFFFFF0] =	vst v7;
	v3 =	vld.idx.msk [tilespmem:v12+s5+$0x0], $0xffff  }
0x245: {  	[tilespmem:s26+$0xFFFFFF80] =	vst v15;
	v4 =	vld.idx.msk [tilespmem:v13+s5+$0x0], $0xffff  }
0x246: {  	s29 =	simm.s32 $0x1C0F0;
	s28 =	simm.s32 $0x0;
	[tilespmem:s26+$0x0] =	vst v8;
	v5 =	vld.idx.msk [tilespmem:v14+s5+$0x0], $0xffff  }
.LBB2_17:
0x247: {  	v6 =	vld [tilespmem:s29+$0x0];
	s28 =	sadd.s32 $0x100, s28;
	[tilespmem:s26+$0x10] =	vst v0  }
0x248: {  	v0 =	vld [tilespmem:s29+$0xFFFFFF20];
	p0 =	slt.u32 s28, $0x700;
	[tilespmem:s26+$0x20] =	vst v1  }
0x249: {  	v1 =	vld [tilespmem:s29+$0xFFFFFF30];
	[tilespmem:s26+$0x30] =	vst v2  }
0x24a: {  	v2 =	vld [tilespmem:s29+$0xFFFFFF40];
	[tilespmem:s26+$0x40] =	vst v3  }
0x24b: {  	v3 =	vld [tilespmem:s29+$0xFFFFFF50];
	[tilespmem:s26+$0x50] =	vst v4  }
0x24c: {  	v4 =	vld [tilespmem:s29+$0xFFFFFF60];
	[tilespmem:s26+$0x60] =	vst v5  }
0x24d: {  	v5 =	vld [tilespmem:s29+$0xFFFFFF70]  }
0x24e: {  	v7 =	vld [tilespmem:s29+$0xFFFFFF80]  }
0x24f: {  	v6 =	vld.idx.msk [tilespmem:v6+s5+$0x0], $0xffff  }
0x250: {  	v8 =	vld [tilespmem:s29+$0xFFFFFF90]  }
0x251: {  	v9 =	vld [tilespmem:s29+$0xFFFFFFA0]  }
0x252: {  	v10 =	vld [tilespmem:s29+$0xFFFFFFB0]  }
0x253: {  	v11 =	vld [tilespmem:s29+$0xFFFFFFC0]  }
0x254: {  	s26 =	sadd.s32 $0x100, s26;
	v12 =	vld [tilespmem:s29+$0xFFFFFFD0]  }
0x255: {  	v13 =	vld [tilespmem:s29+$0xFFFFFFE0];
	[tilespmem:s26+$0x70] =	vst v6  }
0x256: {  	v6 =	vld [tilespmem:s29+$0xFFFFFFF0]  }
0x257: {  	v14 =	vld [tilespmem:s29+$0xFFFFFF10]  }
0x258: {  	v0 =	vld.idx.msk [tilespmem:v0+s5+$0x0], $0xffff  }
0x259: {  	v1 =	vld.idx.msk [tilespmem:v1+s5+$0x0], $0xffff  }
0x25a: {  	v2 =	vld.idx.msk [tilespmem:v2+s5+$0x0], $0xffff  }
0x25b: {  	v3 =	vld.idx.msk [tilespmem:v3+s5+$0x0], $0xffff  }
0x25c: {  	v4 =	vld.idx.msk [tilespmem:v4+s5+$0x0], $0xffff  }
0x25d: {  	v5 =	vld.idx.msk [tilespmem:v5+s5+$0x0], $0xffff  }
0x25e: {  	[tilespmem:s26+$0xFFFFFF90] =	vst v0;
	v7 =	vld.idx.msk [tilespmem:v7+s5+$0x0], $0xffff  }
0x25f: {  	v14 =	vld.idx.msk [tilespmem:v14+s5+$0x0], $0xffff;
	[tilespmem:s26+$0xFFFFFFA0] =	vst v1  }
0x260: {  	[tilespmem:s26+$0xFFFFFFB0] =	vst v2;
	v8 =	vld.idx.msk [tilespmem:v8+s5+$0x0], $0xffff  }
0x261: {  	[tilespmem:s26+$0xFFFFFFC0] =	vst v3;
	v0 =	vld.idx.msk [tilespmem:v9+s5+$0x0], $0xffff  }
.Ltmp7:
0x262: {  	[tilespmem:s26+$0xFFFFFFD0] =	vst v4;
	v1 =	vld.idx.msk [tilespmem:v10+s5+$0x0], $0xffff;
	(pc) =	sbr.rel @p0 .LBB2_17-.Ltmp7, $4  }
0x263: {  	[tilespmem:s26+$0xFFFFFFE0] =	vst v5;
	v2 =	vld.idx.msk [tilespmem:v11+s5+$0x0], $0xffff  }
0x264: {  	[tilespmem:s26+$0xFFFFFFF0] =	vst v7;
	v3 =	vld.idx.msk [tilespmem:v12+s5+$0x0], $0xffff  }
0x265: {  	[tilespmem:s26+$0xFFFFFF80] =	vst v14;
	v4 =	vld.idx.msk [tilespmem:v13+s5+$0x0], $0xffff  }
0x266: {  	s29 =	sadd.s32 $0x100, s29;
	[tilespmem:s26+$0x0] =	vst v8;
	v5 =	vld.idx.msk [tilespmem:v6+s5+$0x0], $0xffff  }
0x267: {  	[tilespmem:s26+$0x10] =	vst v0  }
0x268: {  	[tilespmem:s26+$0x20] =	vst v1  }
0x269: {  	s24 =	sor.u32 s25, s24;
	[tilespmem:s26+$0x30] =	vst v2  }
0x26a: {  	s24 =	sshrl.u32 s24, $0x3;
	[tilespmem:s26+$0x40] =	vst v3  }
0x26b: {  	s24 =	sor.u32 $0x3800, s24;
	[tilespmem:s26+$0x50] =	vst v4  }
0x26c: {  	s22 =	sadd.s32 $0x1, s22;
	s24 =	sadd.s32 s4, s24;
	[tilespmem:s26+$0x60] =	vst v5  }
0x26d: {  	[hbm4b:s24+s14] =	stream.strided.scatter [tilespmem:s18], [sflag:$0x2], $0x800, s15, s14, $0x38;
	[tilespmem:$0x1D700] =	vst v63  }
0x26e: {  	p0 =	sne.s32 s22, $0x1A;
	_ =	swait.ge [sflag:s19], $0x800  }
.Ltmp8:
0x26f: {  	[sflag:s19] =	ssyncset.done $0x0;
	(pc) =	sbr.rel @p0 .LBB2_2-.Ltmp8, $4  }
0x270: {  	[sflag:s19] =	ssyncadd.s32 $0xFFFFF800  }
0x271: {  	_ =	swait.ge [sflag:s20], $0x800  }
0x272: {  	[sflag:s20] =	ssyncset.done $0x0  }
0x273: {  	[sflag:s20] =	ssyncadd.s32 $0xFFFFF800  }
0x274: {  	s21 =	sadd.s32 $0x1, s21  }
0x275: {  	p0 =	sne.s32 s21, s13  }
.Ltmp9:
0x276: {  	_ = 	snop;
	(pc) =	sbr.rel @p0 .LBB2_1-.Ltmp9, $1  }
0x277: {  	_ =	sdelay $0x3  }
0x278: {  	_ =	sfence.sel $0x180000  }
0x279: {  	[bflag:$0x0] =	sbarrier.arrive $0xFFFF  }
0x27a: {  	p0 =	sne.s32 s2, $0x0;
	_ =	strace $0x90000047  }
0x27b: {  	s0 =	sadd.s32 @!p0 $0x100000, s0;
	[bflag:$0x2] =	sbarrier.arrive $0xFFFF  }
0x27c: {  	[sflag:s0] =	ssyncadd.tile.s32 @!p0 $0x1;
	_ =	shalt  }
.Lfunc_end2:
_tile_overlayer_lowered:
.L_overlay_start_2:
0x27d: {  	(tag) =	ssettag $0x2  }
0x27e: {  	s0 =	rddreg [dreg:$0x0];
	s2 =	stileid.u32  }
0x27f: {  	s1 =	rddreg [dreg:$0x1];
	p0 =	sne.s32 s2, $0x0  }
0x280: {  	s3 =	rddreg [dreg:$0x2];
	[bflag:$0x3] =	sbarrier.arrive $0xFFFF;
	s2 =	simm.s32 @!p0 $0x1C04  }
0x281: {  	[timem:s3], [sflag:s2] =	dma.local @!p0 [hbm:s0], s1  }
0x282: {  	s0 =	simm.s32 @!p0 $0x4  }
0x283: {  	_ =	swait.ge @!p0 [sflag:s0], s1  }
0x284: {  	s1 =	ssub.s32 @!p0 $0x0, s1;
	[sflag:s0] =	ssyncset.done @!p0 $0x0  }
0x285: {  	[sflag:s0] =	ssyncadd.s32 @!p0 s1  }
0x286: {  	[bflag:$0x3] =	sbarrier.arrive $0xFFFF  }
0x287: {  	_ =	shalt  }

</sc_bundles>
